<compile_context>
chip_gen: v7x
topology: tpu7x:2x2x1
jax: 0.10.2.dev20260603
libtpu: 0.0.44.dev20260713+nightly
codegen_flags: <defaults>
</compile_context>

<pallas_src>
import functools

import jax
import jax.numpy as jnp
from jax import lax
from jax.experimental import pallas as pl
from jax.experimental.pallas import tpu as pltpu
from jax.experimental.pallas import tpu_sc as plsc

NC = 2
NS = 16
NW = NC * NS

G = 128
QPC = 4
CHUNK = G * QPC


def _make_gather(tot, d):
    per_w = tot // NW
    n_chunks = per_w // CHUNK
    n_desc = per_w // G
    assert per_w % CHUNK == 0 and n_chunks % 2 == 0

    mesh = plsc.VectorSubcoreMesh(core_axis_name="c", subcore_axis_name="s")

    @functools.partial(
        pl.kernel,
        mesh=mesh,
        out_type=jax.ShapeDtypeStruct((tot, d), jnp.float32),
        scratch_types=[
            pltpu.VMEM((n_desc, G), jnp.int32),
            pltpu.VMEM((2, CHUNK, d), jnp.float32),
            pltpu.SemaphoreType.DMA,
            pltpu.SemaphoreType.DMA,
            pltpu.SemaphoreType.DMA,
        ],
        compiler_params=pltpu.CompilerParams(use_tc_tiling_on_sc=False),
    )
    def gather_kernel(idx_hbm, table_hbm, out_hbm, idx_v, rows_v, gsem,
                      ssem0, ssem1):
        wid = lax.axis_index("s") * NC + lax.axis_index("c")
        base = wid * per_w
        ssems = (ssem0, ssem1)

        pltpu.sync_copy(idx_hbm.at[wid], idx_v)

        def store_copy(j, bb):
            return pltpu.make_async_copy(
                rows_v.at[bb],
                out_hbm.at[pl.ds(base + j * CHUNK, CHUNK)],
                ssems[bb],
            )

        def body(t, carry):
            for bb in range(2):
                j = 2 * t + bb
                @pl.when(t > 0)
                def _():
                    store_copy(j - 2, bb).wait()

                copies = []
                for q in range(QPC):
                    copies.append(pltpu.async_copy(
                        table_hbm.at[idx_v.at[j * QPC + q]],
                        rows_v.at[bb].at[pl.ds(q * G, G)],
                        gsem,
                    ))
                for cp in copies:
                    cp.wait()
                store_copy(j, bb).start()
            return carry

        lax.fori_loop(0, n_chunks // 2, body, 0)
        store_copy(n_chunks - 2, 0).wait()
        store_copy(n_chunks - 1, 1).wait()

    return gather_kernel


def kernel(input_ids, attention_mask, table):
    b, s = input_ids.shape
    _, d = table.shape
    tot = b * s
    ids = input_ids.astype(jnp.int32).reshape(NW, tot // (NW * G), G)
    out = _make_gather(tot, d)(ids, table)
    return out.reshape(b, s, d), attention_mask

# --- scband reference (transcript-rebuilt; emitter-appended) ---
"""Pipeline reference for scband-base-input-processor-8315056685334 (READ-ONLY COPY).

The authoritative reference and input builder live on the scoring server;
editing this copy changes nothing except your own understanding.
"""

import jax, jax.numpy as jnp
import numpy as np

NUM_EMBEDDINGS = 100000
EMBEDDING_DIM = 64
BATCH = 4096
SEQ = 200

def setup_inputs(seed: int = 0) -> dict:
    key = jax.random.key(seed)
    k_ids, k_tab = jax.random.split(key)
    input_ids = jax.random.randint(k_ids, (BATCH, SEQ), 0, NUM_EMBEDDINGS, dtype=jnp.int64 if jax.config.jax_enable_x64 else jnp.int32)
    attention_mask = jnp.ones((BATCH, SEQ), dtype=jnp.float32)
    table = jax.random.normal(k_tab, (NUM_EMBEDDINGS, EMBEDDING_DIM), dtype=jnp.float32) * 0.02
    return {"input_ids": input_ids, "attention_mask": attention_mask, "table": table}

def reference(input_ids, attention_mask, table):
    # BaseInputProcessor.forward: embed lookup + passthrough of attention_mask
    input_embeddings = jnp.take(table, input_ids, axis=0)
    return (input_embeddings, attention_mask)

if __name__ == "__main__":
    import jax
    _d = setup_inputs()
    print(jax.jit(kernel)(*tuple(_d.values())))

</pallas_src>

<mosaic_0001>
#map = affine_map<(d0, d1) -> (0, 0, 0)>
#map1 = affine_map<(d0, d1) -> (0, 0)>
module attributes {stable_mosaic.version = 14 : i64} {
  func.func @gather_kernel(%arg0: i32, %arg1: i32, %arg2: memref<32x200x128xi32, #tpu.memory_space<hbm>>, %arg3: memref<100000x64xf32, #tpu.memory_space<hbm>>, %arg4: memref<819200x64xf32, #tpu.memory_space<hbm>>, %arg5: memref<200x128xi32, #tpu.memory_space<vmem>>, %arg6: memref<2x512x64xf32, #tpu.memory_space<vmem>>, %arg7: memref<!tpu.dma_semaphore, #tpu.memory_space<semaphore_mem>>, %arg8: memref<!tpu.dma_semaphore, #tpu.memory_space<semaphore_mem>>, %arg9: memref<!tpu.dma_semaphore, #tpu.memory_space<semaphore_mem>>) attributes {dimension_semantics = [#tpu.dimension_semantics<core_parallel>, #tpu.dimension_semantics<subcore_parallel>], iteration_bounds = array<i64: 2, 16>, scalar_prefetch = 0 : i64, scratch_operands = 5 : i64, tpu.core_type = #tpu.core_type<sc_vector_subcore>, window_params = [{transform_indices = #map}, {transform_indices = #map1}, {transform_indices = #map1}]} {
    %mul3A = arith.constant 2 : i32
    %mul3A_0 = arith.muli %arg1, %mul3A : i32
    %add3A = arith.addi %mul3A_0, %arg0 : i32
    %mul3A_1 = arith.constant 25600 : i32
    %mul3A_2 = arith.muli %add3A, %mul3A_1 : i32
    "tpu.region"() ({
      %run_scoped3A = tpu.sem_alloc : memref<!tpu.dma_semaphore, #tpu.memory_space<semaphore_mem>>
      %dma_start3A = arith.constant 0 : i32
      %dma_start3A_37 = arith.constant 0 : i32
      %dma_start3A_38 = tpu.memref_slice %arg2[%add3A, %dma_start3A, %dma_start3A_37] : memref<32x200x128xi32, #tpu.memory_space<hbm>> -> memref<1x200x128xi32, #tpu.memory_space<hbm>>
      %dma_start3A_39 = tpu.memref_squeeze %dma_start3A_38 : memref<1x200x128xi32, #tpu.memory_space<hbm>> -> memref<200x128xi32, #tpu.memory_space<hbm>>
      %dma_start3A_40 = arith.constant 0 : i32
      %dma_start3A_41 = arith.constant 0 : i32
      %dma_start3A_42 = tpu.memref_slice %arg2[%add3A, %dma_start3A_40, %dma_start3A_41] : memref<32x200x128xi32, #tpu.memory_space<hbm>> -> memref<1x200x128xi32, #tpu.memory_space<hbm>>
      %dma_start3A_43 = tpu.memref_squeeze %dma_start3A_42 : memref<1x200x128xi32, #tpu.memory_space<hbm>> -> memref<200x128xi32, #tpu.memory_space<hbm>>
      tpu.enqueue_dma source(%dma_start3A_43 : memref<200x128xi32, #tpu.memory_space<hbm>>) target(%arg5 : memref<200x128xi32, #tpu.memory_space<vmem>>) target_semaphore(%run_scoped3A : memref<!tpu.dma_semaphore, #tpu.memory_space<semaphore_mem>>)
      %dma_wait3A_44 = arith.constant 0 : i32
      %dma_wait3A_45 = arith.constant 0 : i32
      %dma_wait3A_46 = tpu.memref_slice %arg2[%add3A, %dma_wait3A_44, %dma_wait3A_45] : memref<32x200x128xi32, #tpu.memory_space<hbm>> -> memref<1x200x128xi32, #tpu.memory_space<hbm>>
      %dma_wait3A_47 = tpu.memref_squeeze %dma_wait3A_46 : memref<1x200x128xi32, #tpu.memory_space<hbm>> -> memref<200x128xi32, #tpu.memory_space<hbm>>
      %dma_wait3A_48 = arith.constant 0 : i32
      %dma_wait3A_49 = arith.constant 0 : i32
      %dma_wait3A_50 = tpu.memref_slice %arg2[%add3A, %dma_wait3A_48, %dma_wait3A_49] : memref<32x200x128xi32, #tpu.memory_space<hbm>> -> memref<1x200x128xi32, #tpu.memory_space<hbm>>
      %dma_wait3A_51 = tpu.memref_squeeze %dma_wait3A_50 : memref<1x200x128xi32, #tpu.memory_space<hbm>> -> memref<200x128xi32, #tpu.memory_space<hbm>>
      tpu.wait_dma2 semaphore(%run_scoped3A : memref<!tpu.dma_semaphore, #tpu.memory_space<semaphore_mem>>) src(%dma_wait3A_51 : memref<200x128xi32, #tpu.memory_space<hbm>>) dst(%arg5 : memref<200x128xi32, #tpu.memory_space<vmem>>)
      tpu.yield
    }) : () -> ()
    %scan3A = arith.constant 0 : i32
    %scan3A_3 = arith.constant 0 : i32
    %scan3A_4 = arith.constant 25 : i32
    %scan3A_5 = arith.addi %scan3A_3, %scan3A_4 : i32
    %scan3A_6 = arith.constant 1 : i32
    scf.for %scan3A_37 = %scan3A_3 to %scan3A_5 step %scan3A_6  : i32 {
      %mul3A_38 = arith.constant 2 : i32
      %mul3A_39 = arith.muli %mul3A_38, %scan3A_37 : i32
      %add3A_40 = arith.constant 0 : i32
      %add3A_41 = arith.addi %mul3A_39, %add3A_40 : i32
      %gt3A = arith.constant 0 : i32
      %gt3A_42 = arith.cmpi sgt, %scan3A_37, %gt3A : i32
      %convert_element_type3A = arith.extui %gt3A_42 : i1 to i32
      %cond3A = arith.constant 0 : i32
      %cond3A_43 = arith.cmpi ne, %convert_element_type3A, %cond3A : i32
      scf.if %cond3A_43 {
        %sub3A = arith.constant 2 : i32
        %sub3A_340 = arith.subi %add3A_41, %sub3A : i32
        %mul3A_341 = arith.constant 512 : i32
        %mul3A_342 = arith.muli %sub3A_340, %mul3A_341 : i32
        %add3A_343 = arith.addi %mul3A_2, %mul3A_342 : i32
        %dma_wait3A_344 = arith.constant 0 : i32
        %dma_wait3A_345 = arith.constant 0 : i32
        %dma_wait3A_346 = arith.constant 0 : i32
        %dma_wait3A_347 = tpu.memref_slice %arg6[%dma_wait3A_344, %dma_wait3A_345, %dma_wait3A_346] : memref<2x512x64xf32, #tpu.memory_space<vmem>> -> memref<1x512x64xf32, #tpu.memory_space<vmem>>
        %dma_wait3A_348 = tpu.memref_squeeze %dma_wait3A_347 : memref<1x512x64xf32, #tpu.memory_space<vmem>> -> memref<512x64xf32, #tpu.memory_space<vmem>>
        %dma_wait3A_349 = arith.constant 0 : i32
        %dma_wait3A_350 = tpu.memref_slice %arg4[%add3A_343, %dma_wait3A_349] : memref<819200x64xf32, #tpu.memory_space<hbm>> -> memref<512x64xf32, #tpu.memory_space<hbm>>
        %dma_wait3A_351 = arith.constant 0 : i32
        %dma_wait3A_352 = tpu.memref_slice %arg4[%add3A_343, %dma_wait3A_351] : memref<819200x64xf32, #tpu.memory_space<hbm>> -> memref<512x64xf32, #tpu.memory_space<hbm>>
        %dma_wait3A_353 = arith.constant 0 : i32
        %dma_wait3A_354 = arith.constant 0 : i32
        %dma_wait3A_355 = tpu.memref_slice %arg6[%dma_wait3A_344, %dma_wait3A_353, %dma_wait3A_354] : memref<2x512x64xf32, #tpu.memory_space<vmem>> -> memref<1x512x64xf32, #tpu.memory_space<vmem>>
        %dma_wait3A_356 = tpu.memref_squeeze %dma_wait3A_355 : memref<1x512x64xf32, #tpu.memory_space<vmem>> -> memref<512x64xf32, #tpu.memory_space<vmem>>
        tpu.wait_dma2 semaphore(%arg8 : memref<!tpu.dma_semaphore, #tpu.memory_space<semaphore_mem>>) src(%dma_wait3A_356 : memref<512x64xf32, #tpu.memory_space<vmem>>) dst(%dma_wait3A_352 : memref<512x64xf32, #tpu.memory_space<hbm>>)
      } else {
      }
      %mul3A_44 = arith.constant 4 : i32
      %mul3A_45 = arith.muli %add3A_41, %mul3A_44 : i32
      %add3A_46 = arith.constant 0 : i32
      %add3A_47 = arith.addi %mul3A_45, %add3A_46 : i32
      %dma_start3A = arith.constant 0 : i32
      %dma_start3A_48 = arith.constant 0 : i32
      %dma_start3A_49 = arith.constant 0 : i32
      %dma_start3A_50 = tpu.memref_slice %arg6[%dma_start3A, %dma_start3A_48, %dma_start3A_49] : memref<2x512x64xf32, #tpu.memory_space<vmem>> -> memref<1x512x64xf32, #tpu.memory_space<vmem>>
      %dma_start3A_51 = tpu.memref_squeeze %dma_start3A_50 : memref<1x512x64xf32, #tpu.memory_space<vmem>> -> memref<512x64xf32, #tpu.memory_space<vmem>>
      %dma_start3A_52 = arith.constant 0 : i32
      %dma_start3A_53 = arith.constant 0 : i32
      %dma_start3A_54 = tpu.memref_slice %dma_start3A_51[%dma_start3A_52, %dma_start3A_53] : memref<512x64xf32, #tpu.memory_space<vmem>> -> memref<128x64xf32, #tpu.memory_space<vmem>>
      %dma_start3A_55 = arith.constant 0 : i32
      %dma_start3A_56 = tpu.memref_slice %arg5[%add3A_47, %dma_start3A_55] : memref<200x128xi32, #tpu.memory_space<vmem>> -> memref<1x128xi32, #tpu.memory_space<vmem>>
      %dma_start3A_57 = tpu.memref_squeeze %dma_start3A_56 : memref<1x128xi32, #tpu.memory_space<vmem>> -> memref<128xi32, #tpu.memory_space<vmem>>
      %dma_start3A_58 = arith.constant 0 : i32
      %dma_start3A_59 = arith.constant 0 : i32
      %dma_start3A_60 = tpu.memref_slice %arg3[%dma_start3A_58, %dma_start3A_59] : memref<100000x64xf32, #tpu.memory_space<hbm>> -> memref<100000x64xf32, #tpu.memory_space<hbm>>
      tpu.enqueue_indirect_dma source(%dma_start3A_60 : memref<100000x64xf32, #tpu.memory_space<hbm>>) target(%dma_start3A_54 : memref<128x64xf32, #tpu.memory_space<vmem>>) offsets(%dma_start3A_57 : memref<128xi32, #tpu.memory_space<vmem>>) semaphore(%arg7 : memref<!tpu.dma_semaphore, #tpu.memory_space<semaphore_mem>>)
      %mul3A_61 = arith.constant 4 : i32
      %mul3A_62 = arith.muli %add3A_41, %mul3A_61 : i32
      %add3A_63 = arith.constant 1 : i32
      %add3A_64 = arith.addi %mul3A_62, %add3A_63 : i32
      %dma_start3A_65 = arith.constant 0 : i32
      %dma_start3A_66 = arith.constant 0 : i32
      %dma_start3A_67 = arith.constant 0 : i32
      %dma_start3A_68 = tpu.memref_slice %arg6[%dma_start3A_65, %dma_start3A_66, %dma_start3A_67] : memref<2x512x64xf32, #tpu.memory_space<vmem>> -> memref<1x512x64xf32, #tpu.memory_space<vmem>>
      %dma_start3A_69 = tpu.memref_squeeze %dma_start3A_68 : memref<1x512x64xf32, #tpu.memory_space<vmem>> -> memref<512x64xf32, #tpu.memory_space<vmem>>
      %dma_start3A_70 = arith.constant 128 : i32
      %dma_start3A_71 = arith.constant 0 : i32
      %dma_start3A_72 = tpu.memref_slice %dma_start3A_69[%dma_start3A_70, %dma_start3A_71] : memref<512x64xf32, #tpu.memory_space<vmem>> -> memref<128x64xf32, #tpu.memory_space<vmem>>
      %dma_start3A_73 = arith.constant 0 : i32
      %dma_start3A_74 = tpu.memref_slice %arg5[%add3A_64, %dma_start3A_73] : memref<200x128xi32, #tpu.memory_space<vmem>> -> memref<1x128xi32, #tpu.memory_space<vmem>>
      %dma_start3A_75 = tpu.memref_squeeze %dma_start3A_74 : memref<1x128xi32, #tpu.memory_space<vmem>> -> memref<128xi32, #tpu.memory_space<vmem>>
      %dma_start3A_76 = arith.constant 0 : i32
      %dma_start3A_77 = arith.constant 0 : i32
      %dma_start3A_78 = tpu.memref_slice %arg3[%dma_start3A_76, %dma_start3A_77] : memref<100000x64xf32, #tpu.memory_space<hbm>> -> memref<100000x64xf32, #tpu.memory_space<hbm>>
      tpu.enqueue_indirect_dma source(%dma_start3A_78 : memref<100000x64xf32, #tpu.memory_space<hbm>>) target(%dma_start3A_72 : memref<128x64xf32, #tpu.memory_space<vmem>>) offsets(%dma_start3A_75 : memref<128xi32, #tpu.memory_space<vmem>>) semaphore(%arg7 : memref<!tpu.dma_semaphore, #tpu.memory_space<semaphore_mem>>)
      %mul3A_79 = arith.constant 4 : i32
      %mul3A_80 = arith.muli %add3A_41, %mul3A_79 : i32
      %add3A_81 = arith.constant 2 : i32
      %add3A_82 = arith.addi %mul3A_80, %add3A_81 : i32
      %dma_start3A_83 = arith.constant 0 : i32
      %dma_start3A_84 = arith.constant 0 : i32
      %dma_start3A_85 = arith.constant 0 : i32
      %dma_start3A_86 = tpu.memref_slice %arg6[%dma_start3A_83, %dma_start3A_84, %dma_start3A_85] : memref<2x512x64xf32, #tpu.memory_space<vmem>> -> memref<1x512x64xf32, #tpu.memory_space<vmem>>
      %dma_start3A_87 = tpu.memref_squeeze %dma_start3A_86 : memref<1x512x64xf32, #tpu.memory_space<vmem>> -> memref<512x64xf32, #tpu.memory_space<vmem>>
      %dma_start3A_88 = arith.constant 256 : i32
      %dma_start3A_89 = arith.constant 0 : i32
      %dma_start3A_90 = tpu.memref_slice %dma_start3A_87[%dma_start3A_88, %dma_start3A_89] : memref<512x64xf32, #tpu.memory_space<vmem>> -> memref<128x64xf32, #tpu.memory_space<vmem>>
      %dma_start3A_91 = arith.constant 0 : i32
      %dma_start3A_92 = tpu.memref_slice %arg5[%add3A_82, %dma_start3A_91] : memref<200x128xi32, #tpu.memory_space<vmem>> -> memref<1x128xi32, #tpu.memory_space<vmem>>
      %dma_start3A_93 = tpu.memref_squeeze %dma_start3A_92 : memref<1x128xi32, #tpu.memory_space<vmem>> -> memref<128xi32, #tpu.memory_space<vmem>>
      %dma_start3A_94 = arith.constant 0 : i32
      %dma_start3A_95 = arith.constant 0 : i32
      %dma_start3A_96 = tpu.memref_slice %arg3[%dma_start3A_94, %dma_start3A_95] : memref<100000x64xf32, #tpu.memory_space<hbm>> -> memref<100000x64xf32, #tpu.memory_space<hbm>>
      tpu.enqueue_indirect_dma source(%dma_start3A_96 : memref<100000x64xf32, #tpu.memory_space<hbm>>) target(%dma_start3A_90 : memref<128x64xf32, #tpu.memory_space<vmem>>) offsets(%dma_start3A_93 : memref<128xi32, #tpu.memory_space<vmem>>) semaphore(%arg7 : memref<!tpu.dma_semaphore, #tpu.memory_space<semaphore_mem>>)
      %mul3A_97 = arith.constant 4 : i32
      %mul3A_98 = arith.muli %add3A_41, %mul3A_97 : i32
      %add3A_99 = arith.constant 3 : i32
      %add3A_100 = arith.addi %mul3A_98, %add3A_99 : i32
      %dma_start3A_101 = arith.constant 0 : i32
      %dma_start3A_102 = arith.constant 0 : i32
      %dma_start3A_103 = arith.constant 0 : i32
      %dma_start3A_104 = tpu.memref_slice %arg6[%dma_start3A_101, %dma_start3A_102, %dma_start3A_103] : memref<2x512x64xf32, #tpu.memory_space<vmem>> -> memref<1x512x64xf32, #tpu.memory_space<vmem>>
      %dma_start3A_105 = tpu.memref_squeeze %dma_start3A_104 : memref<1x512x64xf32, #tpu.memory_space<vmem>> -> memref<512x64xf32, #tpu.memory_space<vmem>>
      %dma_start3A_106 = arith.constant 384 : i32
      %dma_start3A_107 = arith.constant 0 : i32
      %dma_start3A_108 = tpu.memref_slice %dma_start3A_105[%dma_start3A_106, %dma_start3A_107] : memref<512x64xf32, #tpu.memory_space<vmem>> -> memref<128x64xf32, #tpu.memory_space<vmem>>
      %dma_start3A_109 = arith.constant 0 : i32
      %dma_start3A_110 = tpu.memref_slice %arg5[%add3A_100, %dma_start3A_109] : memref<200x128xi32, #tpu.memory_space<vmem>> -> memref<1x128xi32, #tpu.memory_space<vmem>>
      %dma_start3A_111 = tpu.memref_squeeze %dma_start3A_110 : memref<1x128xi32, #tpu.memory_space<vmem>> -> memref<128xi32, #tpu.memory_space<vmem>>
      %dma_start3A_112 = arith.constant 0 : i32
      %dma_start3A_113 = arith.constant 0 : i32
      %dma_start3A_114 = tpu.memref_slice %arg3[%dma_start3A_112, %dma_start3A_113] : memref<100000x64xf32, #tpu.memory_space<hbm>> -> memref<100000x64xf32, #tpu.memory_space<hbm>>
      tpu.enqueue_indirect_dma source(%dma_start3A_114 : memref<100000x64xf32, #tpu.memory_space<hbm>>) target(%dma_start3A_108 : memref<128x64xf32, #tpu.memory_space<vmem>>) offsets(%dma_start3A_111 : memref<128xi32, #tpu.memory_space<vmem>>) semaphore(%arg7 : memref<!tpu.dma_semaphore, #tpu.memory_space<semaphore_mem>>)
      %dma_wait3A_115 = arith.constant 0 : i32
      %dma_wait3A_116 = arith.constant 0 : i32
      %dma_wait3A_117 = arith.constant 0 : i32
      %dma_wait3A_118 = tpu.memref_slice %arg6[%dma_wait3A_115, %dma_wait3A_116, %dma_wait3A_117] : memref<2x512x64xf32, #tpu.memory_space<vmem>> -> memref<1x512x64xf32, #tpu.memory_space<vmem>>
      %dma_wait3A_119 = tpu.memref_squeeze %dma_wait3A_118 : memref<1x512x64xf32, #tpu.memory_space<vmem>> -> memref<512x64xf32, #tpu.memory_space<vmem>>
      %dma_wait3A_120 = arith.constant 0 : i32
      %dma_wait3A_121 = arith.constant 0 : i32
      %dma_wait3A_122 = tpu.memref_slice %dma_wait3A_119[%dma_wait3A_120, %dma_wait3A_121] : memref<512x64xf32, #tpu.memory_space<vmem>> -> memref<128x64xf32, #tpu.memory_space<vmem>>
      %dma_wait3A_123 = arith.constant 0 : i32
      %dma_wait3A_124 = tpu.memref_slice %arg5[%add3A_47, %dma_wait3A_123] : memref<200x128xi32, #tpu.memory_space<vmem>> -> memref<1x128xi32, #tpu.memory_space<vmem>>
      %dma_wait3A_125 = tpu.memref_squeeze %dma_wait3A_124 : memref<1x128xi32, #tpu.memory_space<vmem>> -> memref<128xi32, #tpu.memory_space<vmem>>
      %dma_wait3A_126 = arith.constant 0 : i32
      %dma_wait3A_127 = arith.constant 0 : i32
      %dma_wait3A_128 = tpu.memref_slice %arg3[%dma_wait3A_126, %dma_wait3A_127] : memref<100000x64xf32, #tpu.memory_space<hbm>> -> memref<100000x64xf32, #tpu.memory_space<hbm>>
      tpu.wait_indirect_dma semaphore(%arg7 : memref<!tpu.dma_semaphore, #tpu.memory_space<semaphore_mem>>) src(%dma_wait3A_128 : memref<100000x64xf32, #tpu.memory_space<hbm>>) dst(%dma_wait3A_122 : memref<128x64xf32, #tpu.memory_space<vmem>>)
      %dma_wait3A_129 = arith.constant 0 : i32
      %dma_wait3A_130 = arith.constant 0 : i32
      %dma_wait3A_131 = arith.constant 0 : i32
      %dma_wait3A_132 = tpu.memref_slice %arg6[%dma_wait3A_129, %dma_wait3A_130, %dma_wait3A_131] : memref<2x512x64xf32, #tpu.memory_space<vmem>> -> memref<1x512x64xf32, #tpu.memory_space<vmem>>
      %dma_wait3A_133 = tpu.memref_squeeze %dma_wait3A_132 : memref<1x512x64xf32, #tpu.memory_space<vmem>> -> memref<512x64xf32, #tpu.memory_space<vmem>>
      %dma_wait3A_134 = arith.constant 128 : i32
      %dma_wait3A_135 = arith.constant 0 : i32
      %dma_wait3A_136 = tpu.memref_slice %dma_wait3A_133[%dma_wait3A_134, %dma_wait3A_135] : memref<512x64xf32, #tpu.memory_space<vmem>> -> memref<128x64xf32, #tpu.memory_space<vmem>>
      %dma_wait3A_137 = arith.constant 0 : i32
      %dma_wait3A_138 = tpu.memref_slice %arg5[%add3A_64, %dma_wait3A_137] : memref<200x128xi32, #tpu.memory_space<vmem>> -> memref<1x128xi32, #tpu.memory_space<vmem>>
      %dma_wait3A_139 = tpu.memref_squeeze %dma_wait3A_138 : memref<1x128xi32, #tpu.memory_space<vmem>> -> memref<128xi32, #tpu.memory_space<vmem>>
      %dma_wait3A_140 = arith.constant 0 : i32
      %dma_wait3A_141 = arith.constant 0 : i32
      %dma_wait3A_142 = tpu.memref_slice %arg3[%dma_wait3A_140, %dma_wait3A_141] : memref<100000x64xf32, #tpu.memory_space<hbm>> -> memref<100000x64xf32, #tpu.memory_space<hbm>>
      tpu.wait_indirect_dma semaphore(%arg7 : memref<!tpu.dma_semaphore, #tpu.memory_space<semaphore_mem>>) src(%dma_wait3A_142 : memref<100000x64xf32, #tpu.memory_space<hbm>>) dst(%dma_wait3A_136 : memref<128x64xf32, #tpu.memory_space<vmem>>)
      %dma_wait3A_143 = arith.constant 0 : i32
      %dma_wait3A_144 = arith.constant 0 : i32
      %dma_wait3A_145 = arith.constant 0 : i32
      %dma_wait3A_146 = tpu.memref_slice %arg6[%dma_wait3A_143, %dma_wait3A_144, %dma_wait3A_145] : memref<2x512x64xf32, #tpu.memory_space<vmem>> -> memref<1x512x64xf32, #tpu.memory_space<vmem>>
      %dma_wait3A_147 = tpu.memref_squeeze %dma_wait3A_146 : memref<1x512x64xf32, #tpu.memory_space<vmem>> -> memref<512x64xf32, #tpu.memory_space<vmem>>
      %dma_wait3A_148 = arith.constant 256 : i32
      %dma_wait3A_149 = arith.constant 0 : i32
      %dma_wait3A_150 = tpu.memref_slice %dma_wait3A_147[%dma_wait3A_148, %dma_wait3A_149] : memref<512x64xf32, #tpu.memory_space<vmem>> -> memref<128x64xf32, #tpu.memory_space<vmem>>
      %dma_wait3A_151 = arith.constant 0 : i32
      %dma_wait3A_152 = tpu.memref_slice %arg5[%add3A_82, %dma_wait3A_151] : memref<200x128xi32, #tpu.memory_space<vmem>> -> memref<1x128xi32, #tpu.memory_space<vmem>>
      %dma_wait3A_153 = tpu.memref_squeeze %dma_wait3A_152 : memref<1x128xi32, #tpu.memory_space<vmem>> -> memref<128xi32, #tpu.memory_space<vmem>>
      %dma_wait3A_154 = arith.constant 0 : i32
      %dma_wait3A_155 = arith.constant 0 : i32
      %dma_wait3A_156 = tpu.memref_slice %arg3[%dma_wait3A_154, %dma_wait3A_155] : memref<100000x64xf32, #tpu.memory_space<hbm>> -> memref<100000x64xf32, #tpu.memory_space<hbm>>
      tpu.wait_indirect_dma semaphore(%arg7 : memref<!tpu.dma_semaphore, #tpu.memory_space<semaphore_mem>>) src(%dma_wait3A_156 : memref<100000x64xf32, #tpu.memory_space<hbm>>) dst(%dma_wait3A_150 : memref<128x64xf32, #tpu.memory_space<vmem>>)
      %dma_wait3A_157 = arith.constant 0 : i32
      %dma_wait3A_158 = arith.constant 0 : i32
      %dma_wait3A_159 = arith.constant 0 : i32
      %dma_wait3A_160 = tpu.memref_slice %arg6[%dma_wait3A_157, %dma_wait3A_158, %dma_wait3A_159] : memref<2x512x64xf32, #tpu.memory_space<vmem>> -> memref<1x512x64xf32, #tpu.memory_space<vmem>>
      %dma_wait3A_161 = tpu.memref_squeeze %dma_wait3A_160 : memref<1x512x64xf32, #tpu.memory_space<vmem>> -> memref<512x64xf32, #tpu.memory_space<vmem>>
      %dma_wait3A_162 = arith.constant 384 : i32
      %dma_wait3A_163 = arith.constant 0 : i32
      %dma_wait3A_164 = tpu.memref_slice %dma_wait3A_161[%dma_wait3A_162, %dma_wait3A_163] : memref<512x64xf32, #tpu.memory_space<vmem>> -> memref<128x64xf32, #tpu.memory_space<vmem>>
      %dma_wait3A_165 = arith.constant 0 : i32
      %dma_wait3A_166 = tpu.memref_slice %arg5[%add3A_100, %dma_wait3A_165] : memref<200x128xi32, #tpu.memory_space<vmem>> -> memref<1x128xi32, #tpu.memory_space<vmem>>
      %dma_wait3A_167 = tpu.memref_squeeze %dma_wait3A_166 : memref<1x128xi32, #tpu.memory_space<vmem>> -> memref<128xi32, #tpu.memory_space<vmem>>
      %dma_wait3A_168 = arith.constant 0 : i32
      %dma_wait3A_169 = arith.constant 0 : i32
      %dma_wait3A_170 = tpu.memref_slice %arg3[%dma_wait3A_168, %dma_wait3A_169] : memref<100000x64xf32, #tpu.memory_space<hbm>> -> memref<100000x64xf32, #tpu.memory_space<hbm>>
      tpu.wait_indirect_dma semaphore(%arg7 : memref<!tpu.dma_semaphore, #tpu.memory_space<semaphore_mem>>) src(%dma_wait3A_170 : memref<100000x64xf32, #tpu.memory_space<hbm>>) dst(%dma_wait3A_164 : memref<128x64xf32, #tpu.memory_space<vmem>>)
      %mul3A_171 = arith.constant 512 : i32
      %mul3A_172 = arith.muli %add3A_41, %mul3A_171 : i32
      %add3A_173 = arith.addi %mul3A_2, %mul3A_172 : i32
      %dma_start3A_174 = arith.constant 0 : i32
      %dma_start3A_175 = arith.constant 0 : i32
      %dma_start3A_176 = arith.constant 0 : i32
      %dma_start3A_177 = tpu.memref_slice %arg6[%dma_start3A_174, %dma_start3A_175, %dma_start3A_176] : memref<2x512x64xf32, #tpu.memory_space<vmem>> -> memref<1x512x64xf32, #tpu.memory_space<vmem>>
      %dma_start3A_178 = tpu.memref_squeeze %dma_start3A_177 : memref<1x512x64xf32, #tpu.memory_space<vmem>> -> memref<512x64xf32, #tpu.memory_space<vmem>>
      %dma_start3A_179 = arith.constant 0 : i32
      %dma_start3A_180 = tpu.memref_slice %arg4[%add3A_173, %dma_start3A_179] : memref<819200x64xf32, #tpu.memory_space<hbm>> -> memref<512x64xf32, #tpu.memory_space<hbm>>
      %dma_start3A_181 = arith.constant 0 : i32
      %dma_start3A_182 = tpu.memref_slice %arg4[%add3A_173, %dma_start3A_181] : memref<819200x64xf32, #tpu.memory_space<hbm>> -> memref<512x64xf32, #tpu.memory_space<hbm>>
      %dma_start3A_183 = arith.constant 0 : i32
      %dma_start3A_184 = arith.constant 0 : i32
      %dma_start3A_185 = tpu.memref_slice %arg6[%dma_start3A_174, %dma_start3A_183, %dma_start3A_184] : memref<2x512x64xf32, #tpu.memory_space<vmem>> -> memref<1x512x64xf32, #tpu.memory_space<vmem>>
      %dma_start3A_186 = tpu.memref_squeeze %dma_start3A_185 : memref<1x512x64xf32, #tpu.memory_space<vmem>> -> memref<512x64xf32, #tpu.memory_space<vmem>>
      tpu.enqueue_dma source(%dma_start3A_186 : memref<512x64xf32, #tpu.memory_space<vmem>>) target(%dma_start3A_182 : memref<512x64xf32, #tpu.memory_space<hbm>>) target_semaphore(%arg8 : memref<!tpu.dma_semaphore, #tpu.memory_space<semaphore_mem>>)
      %mul3A_187 = arith.constant 2 : i32
      %mul3A_188 = arith.muli %mul3A_187, %scan3A_37 : i32
      %add3A_189 = arith.constant 1 : i32
      %add3A_190 = arith.addi %mul3A_188, %add3A_189 : i32
      %gt3A_191 = arith.constant 0 : i32
      %gt3A_192 = arith.cmpi sgt, %scan3A_37, %gt3A_191 : i32
      %convert_element_type3A_193 = arith.extui %gt3A_192 : i1 to i32
      %cond3A_194 = arith.constant 0 : i32
      %cond3A_195 = arith.cmpi ne, %convert_element_type3A_193, %cond3A_194 : i32
      scf.if %cond3A_195 {
        %sub3A = arith.constant 2 : i32
        %sub3A_340 = arith.subi %add3A_190, %sub3A : i32
        %mul3A_341 = arith.constant 512 : i32
        %mul3A_342 = arith.muli %sub3A_340, %mul3A_341 : i32
        %add3A_343 = arith.addi %mul3A_2, %mul3A_342 : i32
        %dma_wait3A_344 = arith.constant 1 : i32
        %dma_wait3A_345 = arith.constant 0 : i32
        %dma_wait3A_346 = arith.constant 0 : i32
        %dma_wait3A_347 = tpu.memref_slice %arg6[%dma_wait3A_344, %dma_wait3A_345, %dma_wait3A_346] : memref<2x512x64xf32, #tpu.memory_space<vmem>> -> memref<1x512x64xf32, #tpu.memory_space<vmem>>
        %dma_wait3A_348 = tpu.memref_squeeze %dma_wait3A_347 : memref<1x512x64xf32, #tpu.memory_space<vmem>> -> memref<512x64xf32, #tpu.memory_space<vmem>>
        %dma_wait3A_349 = arith.constant 0 : i32
        %dma_wait3A_350 = tpu.memref_slice %arg4[%add3A_343, %dma_wait3A_349] : memref<819200x64xf32, #tpu.memory_space<hbm>> -> memref<512x64xf32, #tpu.memory_space<hbm>>
        %dma_wait3A_351 = arith.constant 0 : i32
        %dma_wait3A_352 = tpu.memref_slice %arg4[%add3A_343, %dma_wait3A_351] : memref<819200x64xf32, #tpu.memory_space<hbm>> -> memref<512x64xf32, #tpu.memory_space<hbm>>
        %dma_wait3A_353 = arith.constant 0 : i32
        %dma_wait3A_354 = arith.constant 0 : i32
        %dma_wait3A_355 = tpu.memref_slice %arg6[%dma_wait3A_344, %dma_wait3A_353, %dma_wait3A_354] : memref<2x512x64xf32, #tpu.memory_space<vmem>> -> memref<1x512x64xf32, #tpu.memory_space<vmem>>
        %dma_wait3A_356 = tpu.memref_squeeze %dma_wait3A_355 : memref<1x512x64xf32, #tpu.memory_space<vmem>> -> memref<512x64xf32, #tpu.memory_space<vmem>>
        tpu.wait_dma2 semaphore(%arg9 : memref<!tpu.dma_semaphore, #tpu.memory_space<semaphore_mem>>) src(%dma_wait3A_356 : memref<512x64xf32, #tpu.memory_space<vmem>>) dst(%dma_wait3A_352 : memref<512x64xf32, #tpu.memory_space<hbm>>)
      } else {
      }
      %mul3A_196 = arith.constant 4 : i32
      %mul3A_197 = arith.muli %add3A_190, %mul3A_196 : i32
      %add3A_198 = arith.constant 0 : i32
      %add3A_199 = arith.addi %mul3A_197, %add3A_198 : i32
      %dma_start3A_200 = arith.constant 1 : i32
      %dma_start3A_201 = arith.constant 0 : i32
      %dma_start3A_202 = arith.constant 0 : i32
      %dma_start3A_203 = tpu.memref_slice %arg6[%dma_start3A_200, %dma_start3A_201, %dma_start3A_202] : memref<2x512x64xf32, #tpu.memory_space<vmem>> -> memref<1x512x64xf32, #tpu.memory_space<vmem>>
      %dma_start3A_204 = tpu.memref_squeeze %dma_start3A_203 : memref<1x512x64xf32, #tpu.memory_space<vmem>> -> memref<512x64xf32, #tpu.memory_space<vmem>>
      %dma_start3A_205 = arith.constant 0 : i32
      %dma_start3A_206 = arith.constant 0 : i32
      %dma_start3A_207 = tpu.memref_slice %dma_start3A_204[%dma_start3A_205, %dma_start3A_206] : memref<512x64xf32, #tpu.memory_space<vmem>> -> memref<128x64xf32, #tpu.memory_space<vmem>>
      %dma_start3A_208 = arith.constant 0 : i32
      %dma_start3A_209 = tpu.memref_slice %arg5[%add3A_199, %dma_start3A_208] : memref<200x128xi32, #tpu.memory_space<vmem>> -> memref<1x128xi32, #tpu.memory_space<vmem>>
      %dma_start3A_210 = tpu.memref_squeeze %dma_start3A_209 : memref<1x128xi32, #tpu.memory_space<vmem>> -> memref<128xi32, #tpu.memory_space<vmem>>
      %dma_start3A_211 = arith.constant 0 : i32
      %dma_start3A_212 = arith.constant 0 : i32
      %dma_start3A_213 = tpu.memref_slice %arg3[%dma_start3A_211, %dma_start3A_212] : memref<100000x64xf32, #tpu.memory_space<hbm>> -> memref<100000x64xf32, #tpu.memory_space<hbm>>
      tpu.enqueue_indirect_dma source(%dma_start3A_213 : memref<100000x64xf32, #tpu.memory_space<hbm>>) target(%dma_start3A_207 : memref<128x64xf32, #tpu.memory_space<vmem>>) offsets(%dma_start3A_210 : memref<128xi32, #tpu.memory_space<vmem>>) semaphore(%arg7 : memref<!tpu.dma_semaphore, #tpu.memory_space<semaphore_mem>>)
      %mul3A_214 = arith.constant 4 : i32
      %mul3A_215 = arith.muli %add3A_190, %mul3A_214 : i32
      %add3A_216 = arith.constant 1 : i32
      %add3A_217 = arith.addi %mul3A_215, %add3A_216 : i32
      %dma_start3A_218 = arith.constant 1 : i32
      %dma_start3A_219 = arith.constant 0 : i32
      %dma_start3A_220 = arith.constant 0 : i32
      %dma_start3A_221 = tpu.memref_slice %arg6[%dma_start3A_218, %dma_start3A_219, %dma_start3A_220] : memref<2x512x64xf32, #tpu.memory_space<vmem>> -> memref<1x512x64xf32, #tpu.memory_space<vmem>>
      %dma_start3A_222 = tpu.memref_squeeze %dma_start3A_221 : memref<1x512x64xf32, #tpu.memory_space<vmem>> -> memref<512x64xf32, #tpu.memory_space<vmem>>
      %dma_start3A_223 = arith.constant 128 : i32
      %dma_start3A_224 = arith.constant 0 : i32
      %dma_start3A_225 = tpu.memref_slice %dma_start3A_222[%dma_start3A_223, %dma_start3A_224] : memref<512x64xf32, #tpu.memory_space<vmem>> -> memref<128x64xf32, #tpu.memory_space<vmem>>
      %dma_start3A_226 = arith.constant 0 : i32
      %dma_start3A_227 = tpu.memref_slice %arg5[%add3A_217, %dma_start3A_226] : memref<200x128xi32, #tpu.memory_space<vmem>> -> memref<1x128xi32, #tpu.memory_space<vmem>>
      %dma_start3A_228 = tpu.memref_squeeze %dma_start3A_227 : memref<1x128xi32, #tpu.memory_space<vmem>> -> memref<128xi32, #tpu.memory_space<vmem>>
      %dma_start3A_229 = arith.constant 0 : i32
      %dma_start3A_230 = arith.constant 0 : i32
      %dma_start3A_231 = tpu.memref_slice %arg3[%dma_start3A_229, %dma_start3A_230] : memref<100000x64xf32, #tpu.memory_space<hbm>> -> memref<100000x64xf32, #tpu.memory_space<hbm>>
      tpu.enqueue_indirect_dma source(%dma_start3A_231 : memref<100000x64xf32, #tpu.memory_space<hbm>>) target(%dma_start3A_225 : memref<128x64xf32, #tpu.memory_space<vmem>>) offsets(%dma_start3A_228 : memref<128xi32, #tpu.memory_space<vmem>>) semaphore(%arg7 : memref<!tpu.dma_semaphore, #tpu.memory_space<semaphore_mem>>)
      %mul3A_232 = arith.constant 4 : i32
      %mul3A_233 = arith.muli %add3A_190, %mul3A_232 : i32
      %add3A_234 = arith.constant 2 : i32
      %add3A_235 = arith.addi %mul3A_233, %add3A_234 : i32
      %dma_start3A_236 = arith.constant 1 : i32
      %dma_start3A_237 = arith.constant 0 : i32
      %dma_start3A_238 = arith.constant 0 : i32
      %dma_start3A_239 = tpu.memref_slice %arg6[%dma_start3A_236, %dma_start3A_237, %dma_start3A_238] : memref<2x512x64xf32, #tpu.memory_space<vmem>> -> memref<1x512x64xf32, #tpu.memory_space<vmem>>
      %dma_start3A_240 = tpu.memref_squeeze %dma_start3A_239 : memref<1x512x64xf32, #tpu.memory_space<vmem>> -> memref<512x64xf32, #tpu.memory_space<vmem>>
      %dma_start3A_241 = arith.constant 256 : i32
      %dma_start3A_242 = arith.constant 0 : i32
      %dma_start3A_243 = tpu.memref_slice %dma_start3A_240[%dma_start3A_241, %dma_start3A_242] : memref<512x64xf32, #tpu.memory_space<vmem>> -> memref<128x64xf32, #tpu.memory_space<vmem>>
      %dma_start3A_244 = arith.constant 0 : i32
      %dma_start3A_245 = tpu.memref_slice %arg5[%add3A_235, %dma_start3A_244] : memref<200x128xi32, #tpu.memory_space<vmem>> -> memref<1x128xi32, #tpu.memory_space<vmem>>
      %dma_start3A_246 = tpu.memref_squeeze %dma_start3A_245 : memref<1x128xi32, #tpu.memory_space<vmem>> -> memref<128xi32, #tpu.memory_space<vmem>>
      %dma_start3A_247 = arith.constant 0 : i32
      %dma_start3A_248 = arith.constant 0 : i32
      %dma_start3A_249 = tpu.memref_slice %arg3[%dma_start3A_247, %dma_start3A_248] : memref<100000x64xf32, #tpu.memory_space<hbm>> -> memref<100000x64xf32, #tpu.memory_space<hbm>>
      tpu.enqueue_indirect_dma source(%dma_start3A_249 : memref<100000x64xf32, #tpu.memory_space<hbm>>) target(%dma_start3A_243 : memref<128x64xf32, #tpu.memory_space<vmem>>) offsets(%dma_start3A_246 : memref<128xi32, #tpu.memory_space<vmem>>) semaphore(%arg7 : memref<!tpu.dma_semaphore, #tpu.memory_space<semaphore_mem>>)
      %mul3A_250 = arith.constant 4 : i32
      %mul3A_251 = arith.muli %add3A_190, %mul3A_250 : i32
      %add3A_252 = arith.constant 3 : i32
      %add3A_253 = arith.addi %mul3A_251, %add3A_252 : i32
      %dma_start3A_254 = arith.constant 1 : i32
      %dma_start3A_255 = arith.constant 0 : i32
      %dma_start3A_256 = arith.constant 0 : i32
      %dma_start3A_257 = tpu.memref_slice %arg6[%dma_start3A_254, %dma_start3A_255, %dma_start3A_256] : memref<2x512x64xf32, #tpu.memory_space<vmem>> -> memref<1x512x64xf32, #tpu.memory_space<vmem>>
      %dma_start3A_258 = tpu.memref_squeeze %dma_start3A_257 : memref<1x512x64xf32, #tpu.memory_space<vmem>> -> memref<512x64xf32, #tpu.memory_space<vmem>>
      %dma_start3A_259 = arith.constant 384 : i32
      %dma_start3A_260 = arith.constant 0 : i32
      %dma_start3A_261 = tpu.memref_slice %dma_start3A_258[%dma_start3A_259, %dma_start3A_260] : memref<512x64xf32, #tpu.memory_space<vmem>> -> memref<128x64xf32, #tpu.memory_space<vmem>>
      %dma_start3A_262 = arith.constant 0 : i32
      %dma_start3A_263 = tpu.memref_slice %arg5[%add3A_253, %dma_start3A_262] : memref<200x128xi32, #tpu.memory_space<vmem>> -> memref<1x128xi32, #tpu.memory_space<vmem>>
      %dma_start3A_264 = tpu.memref_squeeze %dma_start3A_263 : memref<1x128xi32, #tpu.memory_space<vmem>> -> memref<128xi32, #tpu.memory_space<vmem>>
      %dma_start3A_265 = arith.constant 0 : i32
      %dma_start3A_266 = arith.constant 0 : i32
      %dma_start3A_267 = tpu.memref_slice %arg3[%dma_start3A_265, %dma_start3A_266] : memref<100000x64xf32, #tpu.memory_space<hbm>> -> memref<100000x64xf32, #tpu.memory_space<hbm>>
      tpu.enqueue_indirect_dma source(%dma_start3A_267 : memref<100000x64xf32, #tpu.memory_space<hbm>>) target(%dma_start3A_261 : memref<128x64xf32, #tpu.memory_space<vmem>>) offsets(%dma_start3A_264 : memref<128xi32, #tpu.memory_space<vmem>>) semaphore(%arg7 : memref<!tpu.dma_semaphore, #tpu.memory_space<semaphore_mem>>)
      %dma_wait3A_268 = arith.constant 1 : i32
      %dma_wait3A_269 = arith.constant 0 : i32
      %dma_wait3A_270 = arith.constant 0 : i32
      %dma_wait3A_271 = tpu.memref_slice %arg6[%dma_wait3A_268, %dma_wait3A_269, %dma_wait3A_270] : memref<2x512x64xf32, #tpu.memory_space<vmem>> -> memref<1x512x64xf32, #tpu.memory_space<vmem>>
      %dma_wait3A_272 = tpu.memref_squeeze %dma_wait3A_271 : memref<1x512x64xf32, #tpu.memory_space<vmem>> -> memref<512x64xf32, #tpu.memory_space<vmem>>
      %dma_wait3A_273 = arith.constant 0 : i32
      %dma_wait3A_274 = arith.constant 0 : i32
      %dma_wait3A_275 = tpu.memref_slice %dma_wait3A_272[%dma_wait3A_273, %dma_wait3A_274] : memref<512x64xf32, #tpu.memory_space<vmem>> -> memref<128x64xf32, #tpu.memory_space<vmem>>
      %dma_wait3A_276 = arith.constant 0 : i32
      %dma_wait3A_277 = tpu.memref_slice %arg5[%add3A_199, %dma_wait3A_276] : memref<200x128xi32, #tpu.memory_space<vmem>> -> memref<1x128xi32, #tpu.memory_space<vmem>>
      %dma_wait3A_278 = tpu.memref_squeeze %dma_wait3A_277 : memref<1x128xi32, #tpu.memory_space<vmem>> -> memref<128xi32, #tpu.memory_space<vmem>>
      %dma_wait3A_279 = arith.constant 0 : i32
      %dma_wait3A_280 = arith.constant 0 : i32
      %dma_wait3A_281 = tpu.memref_slice %arg3[%dma_wait3A_279, %dma_wait3A_280] : memref<100000x64xf32, #tpu.memory_space<hbm>> -> memref<100000x64xf32, #tpu.memory_space<hbm>>
      tpu.wait_indirect_dma semaphore(%arg7 : memref<!tpu.dma_semaphore, #tpu.memory_space<semaphore_mem>>) src(%dma_wait3A_281 : memref<100000x64xf32, #tpu.memory_space<hbm>>) dst(%dma_wait3A_275 : memref<128x64xf32, #tpu.memory_space<vmem>>)
      %dma_wait3A_282 = arith.constant 1 : i32
      %dma_wait3A_283 = arith.constant 0 : i32
      %dma_wait3A_284 = arith.constant 0 : i32
      %dma_wait3A_285 = tpu.memref_slice %arg6[%dma_wait3A_282, %dma_wait3A_283, %dma_wait3A_284] : memref<2x512x64xf32, #tpu.memory_space<vmem>> -> memref<1x512x64xf32, #tpu.memory_space<vmem>>
      %dma_wait3A_286 = tpu.memref_squeeze %dma_wait3A_285 : memref<1x512x64xf32, #tpu.memory_space<vmem>> -> memref<512x64xf32, #tpu.memory_space<vmem>>
      %dma_wait3A_287 = arith.constant 128 : i32
      %dma_wait3A_288 = arith.constant 0 : i32
      %dma_wait3A_289 = tpu.memref_slice %dma_wait3A_286[%dma_wait3A_287, %dma_wait3A_288] : memref<512x64xf32, #tpu.memory_space<vmem>> -> memref<128x64xf32, #tpu.memory_space<vmem>>
      %dma_wait3A_290 = arith.constant 0 : i32
      %dma_wait3A_291 = tpu.memref_slice %arg5[%add3A_217, %dma_wait3A_290] : memref<200x128xi32, #tpu.memory_space<vmem>> -> memref<1x128xi32, #tpu.memory_space<vmem>>
      %dma_wait3A_292 = tpu.memref_squeeze %dma_wait3A_291 : memref<1x128xi32, #tpu.memory_space<vmem>> -> memref<128xi32, #tpu.memory_space<vmem>>
      %dma_wait3A_293 = arith.constant 0 : i32
      %dma_wait3A_294 = arith.constant 0 : i32
      %dma_wait3A_295 = tpu.memref_slice %arg3[%dma_wait3A_293, %dma_wait3A_294] : memref<100000x64xf32, #tpu.memory_space<hbm>> -> memref<100000x64xf32, #tpu.memory_space<hbm>>
      tpu.wait_indirect_dma semaphore(%arg7 : memref<!tpu.dma_semaphore, #tpu.memory_space<semaphore_mem>>) src(%dma_wait3A_295 : memref<100000x64xf32, #tpu.memory_space<hbm>>) dst(%dma_wait3A_289 : memref<128x64xf32, #tpu.memory_space<vmem>>)
      %dma_wait3A_296 = arith.constant 1 : i32
      %dma_wait3A_297 = arith.constant 0 : i32
      %dma_wait3A_298 = arith.constant 0 : i32
      %dma_wait3A_299 = tpu.memref_slice %arg6[%dma_wait3A_296, %dma_wait3A_297, %dma_wait3A_298] : memref<2x512x64xf32, #tpu.memory_space<vmem>> -> memref<1x512x64xf32, #tpu.memory_space<vmem>>
      %dma_wait3A_300 = tpu.memref_squeeze %dma_wait3A_299 : memref<1x512x64xf32, #tpu.memory_space<vmem>> -> memref<512x64xf32, #tpu.memory_space<vmem>>
      %dma_wait3A_301 = arith.constant 256 : i32
      %dma_wait3A_302 = arith.constant 0 : i32
      %dma_wait3A_303 = tpu.memref_slice %dma_wait3A_300[%dma_wait3A_301, %dma_wait3A_302] : memref<512x64xf32, #tpu.memory_space<vmem>> -> memref<128x64xf32, #tpu.memory_space<vmem>>
      %dma_wait3A_304 = arith.constant 0 : i32
      %dma_wait3A_305 = tpu.memref_slice %arg5[%add3A_235, %dma_wait3A_304] : memref<200x128xi32, #tpu.memory_space<vmem>> -> memref<1x128xi32, #tpu.memory_space<vmem>>
      %dma_wait3A_306 = tpu.memref_squeeze %dma_wait3A_305 : memref<1x128xi32, #tpu.memory_space<vmem>> -> memref<128xi32, #tpu.memory_space<vmem>>
      %dma_wait3A_307 = arith.constant 0 : i32
      %dma_wait3A_308 = arith.constant 0 : i32
      %dma_wait3A_309 = tpu.memref_slice %arg3[%dma_wait3A_307, %dma_wait3A_308] : memref<100000x64xf32, #tpu.memory_space<hbm>> -> memref<100000x64xf32, #tpu.memory_space<hbm>>
      tpu.wait_indirect_dma semaphore(%arg7 : memref<!tpu.dma_semaphore, #tpu.memory_space<semaphore_mem>>) src(%dma_wait3A_309 : memref<100000x64xf32, #tpu.memory_space<hbm>>) dst(%dma_wait3A_303 : memref<128x64xf32, #tpu.memory_space<vmem>>)
      %dma_wait3A_310 = arith.constant 1 : i32
      %dma_wait3A_311 = arith.constant 0 : i32
      %dma_wait3A_312 = arith.constant 0 : i32
      %dma_wait3A_313 = tpu.memref_slice %arg6[%dma_wait3A_310, %dma_wait3A_311, %dma_wait3A_312] : memref<2x512x64xf32, #tpu.memory_space<vmem>> -> memref<1x512x64xf32, #tpu.memory_space<vmem>>
      %dma_wait3A_314 = tpu.memref_squeeze %dma_wait3A_313 : memref<1x512x64xf32, #tpu.memory_space<vmem>> -> memref<512x64xf32, #tpu.memory_space<vmem>>
      %dma_wait3A_315 = arith.constant 384 : i32
      %dma_wait3A_316 = arith.constant 0 : i32
      %dma_wait3A_317 = tpu.memref_slice %dma_wait3A_314[%dma_wait3A_315, %dma_wait3A_316] : memref<512x64xf32, #tpu.memory_space<vmem>> -> memref<128x64xf32, #tpu.memory_space<vmem>>
      %dma_wait3A_318 = arith.constant 0 : i32
      %dma_wait3A_319 = tpu.memref_slice %arg5[%add3A_253, %dma_wait3A_318] : memref<200x128xi32, #tpu.memory_space<vmem>> -> memref<1x128xi32, #tpu.memory_space<vmem>>
      %dma_wait3A_320 = tpu.memref_squeeze %dma_wait3A_319 : memref<1x128xi32, #tpu.memory_space<vmem>> -> memref<128xi32, #tpu.memory_space<vmem>>
      %dma_wait3A_321 = arith.constant 0 : i32
      %dma_wait3A_322 = arith.constant 0 : i32
      %dma_wait3A_323 = tpu.memref_slice %arg3[%dma_wait3A_321, %dma_wait3A_322] : memref<100000x64xf32, #tpu.memory_space<hbm>> -> memref<100000x64xf32, #tpu.memory_space<hbm>>
      tpu.wait_indirect_dma semaphore(%arg7 : memref<!tpu.dma_semaphore, #tpu.memory_space<semaphore_mem>>) src(%dma_wait3A_323 : memref<100000x64xf32, #tpu.memory_space<hbm>>) dst(%dma_wait3A_317 : memref<128x64xf32, #tpu.memory_space<vmem>>)
      %mul3A_324 = arith.constant 512 : i32
      %mul3A_325 = arith.muli %add3A_190, %mul3A_324 : i32
      %add3A_326 = arith.addi %mul3A_2, %mul3A_325 : i32
      %dma_start3A_327 = arith.constant 1 : i32
      %dma_start3A_328 = arith.constant 0 : i32
      %dma_start3A_329 = arith.constant 0 : i32
      %dma_start3A_330 = tpu.memref_slice %arg6[%dma_start3A_327, %dma_start3A_328, %dma_start3A_329] : memref<2x512x64xf32, #tpu.memory_space<vmem>> -> memref<1x512x64xf32, #tpu.memory_space<vmem>>
      %dma_start3A_331 = tpu.memref_squeeze %dma_start3A_330 : memref<1x512x64xf32, #tpu.memory_space<vmem>> -> memref<512x64xf32, #tpu.memory_space<vmem>>
      %dma_start3A_332 = arith.constant 0 : i32
      %dma_start3A_333 = tpu.memref_slice %arg4[%add3A_326, %dma_start3A_332] : memref<819200x64xf32, #tpu.memory_space<hbm>> -> memref<512x64xf32, #tpu.memory_space<hbm>>
      %dma_start3A_334 = arith.constant 0 : i32
      %dma_start3A_335 = tpu.memref_slice %arg4[%add3A_326, %dma_start3A_334] : memref<819200x64xf32, #tpu.memory_space<hbm>> -> memref<512x64xf32, #tpu.memory_space<hbm>>
      %dma_start3A_336 = arith.constant 0 : i32
      %dma_start3A_337 = arith.constant 0 : i32
      %dma_start3A_338 = tpu.memref_slice %arg6[%dma_start3A_327, %dma_start3A_336, %dma_start3A_337] : memref<2x512x64xf32, #tpu.memory_space<vmem>> -> memref<1x512x64xf32, #tpu.memory_space<vmem>>
      %dma_start3A_339 = tpu.memref_squeeze %dma_start3A_338 : memref<1x512x64xf32, #tpu.memory_space<vmem>> -> memref<512x64xf32, #tpu.memory_space<vmem>>
      tpu.enqueue_dma source(%dma_start3A_339 : memref<512x64xf32, #tpu.memory_space<vmem>>) target(%dma_start3A_335 : memref<512x64xf32, #tpu.memory_space<hbm>>) target_semaphore(%arg9 : memref<!tpu.dma_semaphore, #tpu.memory_space<semaphore_mem>>)
    }
    %scan3A_7 = arith.constant 25 : i32
    %add3A_8 = arith.constant 24576 : i32
    %add3A_9 = arith.addi %mul3A_2, %add3A_8 : i32
    %dma_wait3A = arith.constant 0 : i32
    %dma_wait3A_10 = arith.constant 0 : i32
    %dma_wait3A_11 = arith.constant 0 : i32
    %dma_wait3A_12 = tpu.memref_slice %arg6[%dma_wait3A, %dma_wait3A_10, %dma_wait3A_11] : memref<2x512x64xf32, #tpu.memory_space<vmem>> -> memref<1x512x64xf32, #tpu.memory_space<vmem>>
    %dma_wait3A_13 = tpu.memref_squeeze %dma_wait3A_12 : memref<1x512x64xf32, #tpu.memory_space<vmem>> -> memref<512x64xf32, #tpu.memory_space<vmem>>
    %dma_wait3A_14 = arith.constant 0 : i32
    %dma_wait3A_15 = tpu.memref_slice %arg4[%add3A_9, %dma_wait3A_14] : memref<819200x64xf32, #tpu.memory_space<hbm>> -> memref<512x64xf32, #tpu.memory_space<hbm>>
    %dma_wait3A_16 = arith.constant 0 : i32
    %dma_wait3A_17 = tpu.memref_slice %arg4[%add3A_9, %dma_wait3A_16] : memref<819200x64xf32, #tpu.memory_space<hbm>> -> memref<512x64xf32, #tpu.memory_space<hbm>>
    %dma_wait3A_18 = arith.constant 0 : i32
    %dma_wait3A_19 = arith.constant 0 : i32
    %dma_wait3A_20 = tpu.memref_slice %arg6[%dma_wait3A, %dma_wait3A_18, %dma_wait3A_19] : memref<2x512x64xf32, #tpu.memory_space<vmem>> -> memref<1x512x64xf32, #tpu.memory_space<vmem>>
    %dma_wait3A_21 = tpu.memref_squeeze %dma_wait3A_20 : memref<1x512x64xf32, #tpu.memory_space<vmem>> -> memref<512x64xf32, #tpu.memory_space<vmem>>
    tpu.wait_dma2 semaphore(%arg8 : memref<!tpu.dma_semaphore, #tpu.memory_space<semaphore_mem>>) src(%dma_wait3A_21 : memref<512x64xf32, #tpu.memory_space<vmem>>) dst(%dma_wait3A_17 : memref<512x64xf32, #tpu.memory_space<hbm>>)
    %add3A_22 = arith.constant 25088 : i32
    %add3A_23 = arith.addi %mul3A_2, %add3A_22 : i32
    %dma_wait3A_24 = arith.constant 1 : i32
    %dma_wait3A_25 = arith.constant 0 : i32
    %dma_wait3A_26 = arith.constant 0 : i32
    %dma_wait3A_27 = tpu.memref_slice %arg6[%dma_wait3A_24, %dma_wait3A_25, %dma_wait3A_26] : memref<2x512x64xf32, #tpu.memory_space<vmem>> -> memref<1x512x64xf32, #tpu.memory_space<vmem>>
    %dma_wait3A_28 = tpu.memref_squeeze %dma_wait3A_27 : memref<1x512x64xf32, #tpu.memory_space<vmem>> -> memref<512x64xf32, #tpu.memory_space<vmem>>
    %dma_wait3A_29 = arith.constant 0 : i32
    %dma_wait3A_30 = tpu.memref_slice %arg4[%add3A_23, %dma_wait3A_29] : memref<819200x64xf32, #tpu.memory_space<hbm>> -> memref<512x64xf32, #tpu.memory_space<hbm>>
    %dma_wait3A_31 = arith.constant 0 : i32
    %dma_wait3A_32 = tpu.memref_slice %arg4[%add3A_23, %dma_wait3A_31] : memref<819200x64xf32, #tpu.memory_space<hbm>> -> memref<512x64xf32, #tpu.memory_space<hbm>>
    %dma_wait3A_33 = arith.constant 0 : i32
    %dma_wait3A_34 = arith.constant 0 : i32
    %dma_wait3A_35 = tpu.memref_slice %arg6[%dma_wait3A_24, %dma_wait3A_33, %dma_wait3A_34] : memref<2x512x64xf32, #tpu.memory_space<vmem>> -> memref<1x512x64xf32, #tpu.memory_space<vmem>>
    %dma_wait3A_36 = tpu.memref_squeeze %dma_wait3A_35 : memref<1x512x64xf32, #tpu.memory_space<vmem>> -> memref<512x64xf32, #tpu.memory_space<vmem>>
    tpu.wait_dma2 semaphore(%arg9 : memref<!tpu.dma_semaphore, #tpu.memory_space<semaphore_mem>>) src(%dma_wait3A_36 : memref<512x64xf32, #tpu.memory_space<vmem>>) dst(%dma_wait3A_32 : memref<512x64xf32, #tpu.memory_space<hbm>>)
    return
  }
}

</mosaic_0001>

<sc_bundles>
// kernel: kernel.3.cloned.1.call-start
scs
__scs_entry_jumppad:
0x0: {  	(pc) =	sbr.rel $0x88, $3  }
0x1: {  	(tag) =	ssettag $0x0;
	lr =	simm.s32 $0x1  }
0x2: {  	[smem:$0x3F9E] =	sst lr;
	_ =	strace $0xD0000000  }
0x3: {  	_ = 	snop  }
0x4: {  	_ = 	snop  }
0x5: {  	_ = 	snop  }
0x6: {  	_ = 	snop  }
0x7: {  	_ = 	snop  }
__scs_overlays_trampoline_lowered:
0x8: {  	[smem:$0x3FAD] =	sst s0  }
0x9: {  	[smem:$0x3FAE] =	sst s1  }
0xa: {  	[smem:$0x3FAF] =	sst s2  }
0xb: {  	[smem:$0x3FB0] =	sst s3  }
0xc: {  	[smem:$0x3FB1] =	sst s4  }
0xd: {  	[smem:$0x3FB2] =	sst s5  }
0xe: {  	[smem:$0x3FB3] =	sst s6  }
0xf: {  	[smem:$0x3FB4] =	sst s7  }
0x10: {  	[smem:$0x3FB5] =	sst s8  }
0x11: {  	[smem:$0x3FB6] =	sst s9;
	s0 =	simm.s32 @!p0 $0x0  }
0x12: {  	s1 =	sld [smem:$0x3F9C];
	s0 =	simm.s32 @p0 $0x1  }
0x13: {  	[smem:$0x3FB7] =	sst s0;
	s0 =	simm.s32 @!p1 $0x0  }
0x14: {  	s2 =	sld [smem:$0x3F9B];
	s0 =	simm.s32 @p1 $0x1  }
0x15: {  	[smem:$0x3FB8] =	sst s0;
	s0 =	simm.s32 @!p2 $0x0  }
0x16: {  	s3 =	sld [smem:$0x3FDB];
	s0 =	simm.s32 @p2 $0x1  }
0x17: {  	s4 =	simm.s32 $0x1BF5;
	[smem:$0x3FBA] =	sst s0  }
0x18: {  	s0 =	sld [smem:$0x3F9D];
	_ =	swait.ge [sflag:s4], $0x0  }
0x19: {  	s7 =	sld [smem:$0x3F9E]  }
0x1a: {  	s8 =	sadd.s32 $0xFFFFE003, lr  }
0x1b: {  	s9 =	sadd.s32 $0xFFFFFEF7, lr;
	s5 =	simm.s32 $0xFFFFFFFF;
	p2 =	slt.u32 s8, $0xFFFFF086  }
0x1c: {  	p1 =	slt.u32 s9, $0xF7A;
	s5 =	simm.s32 @!p2 $0x0  }
0x1d: {  	s5 =	simm.s32 @p1 $0x1;
	p0 =	seq.s32 s7, s2  }
0x1e: {  	s7 =	smul.u32 @!p0 $0xF7A, s2;
	p2 =	seq.s32 @!p0 s5, $0x0  }
0x1f: {  	s9 =	smul.u32 $0xF7A, s1;
	s8 =	simm.s32 @!p0 $0x1BF5;
	p2 =	por !p2, p0  }
0x20: {  	[sflag:s8] =	ssyncset.s32 @!p0 $0xFFFFF086;
	s6 =	sadd.s32 @!p0 s3, s7;
	s7 =	simm.s32 @!p0 $0x108  }
0x21: {  	s3 =	sadd.s32 s3, s9;
	s6 =	sadd.s32 @!p0 $0x88, s6;
	s7 =	simm.s32 @p2 $0x1082  }
0x22: {  	[simem:s7], [sflag:s8] =	dma.local @!p0 [hbm:s6], $0xF7A  }
0x23: {  	s9 =	sor.u32 $0xD0000000, s2;
	s6 =	simm.s32 $0x108;
	_ =	swait.ge @!p0 [sflag:s8], $0x0  }
0x24: {  	s3 =	sadd.s32 $0x88, s3;
	s6 =	simm.s32 @!p1 $0x1082;
	[sflag:s4] =	ssyncset.s32 $0xFFFFF086  }
0x25: {  	[simem:s6], [sflag:s4] =	dma.local [hbm:s3], $0xF7A  }
0x26: {  	[smem:$0x3F9E] =	sst s1;
	(tag) =	ssettag s2;
	_ =	strace s9  }
0x27: {  	s1 =	sld [smem:$0x3FAE]  }
0x28: {  	s2 =	sld [smem:$0x3FAF]  }
0x29: {  	s4 =	sld [smem:$0x3FB1]  }
0x2a: {  	p0 =	seq.s32 s5, $0x0;
	s5 =	sld [smem:$0x3FB2]  }
0x2b: {  	s6 =	sld [smem:$0x3FB3]  }
0x2c: {  	s7 =	sld [smem:$0x3FB4]  }
0x2d: {  	s3 =	simm.s32 $0x108;
	s8 =	sld [smem:$0x3FB5]  }
0x2e: {  	s3 =	simm.s32 @!p0 $0x1082;
	s9 =	sld [smem:$0x3FB6]  }
0x2f: {  	lr =	sadd.s32 s0, s3;
	s0 =	sld [smem:$0x3FAD]  }
0x30: {  	s3 =	sld [smem:$0x3FB0]  }
0x31: {  	[smem:$0x3FB9] =	sst s10  }
0x32: {  	s10 =	sld [smem:$0x3FB7];
	_ =	sdelay $0x3  }
0x33: {  	p0 =	seq.s32 s10, $0x1;
	s10 =	sld [smem:$0x3FB9];
	_ =	sdelay $0x3  }
0x34: {  	[smem:$0x3FB9] =	sst s10  }
0x35: {  	s10 =	sld [smem:$0x3FB8];
	_ =	sdelay $0x3  }
0x36: {  	p1 =	seq.s32 s10, $0x1;
	s10 =	sld [smem:$0x3FB9];
	_ =	sdelay $0x3  }
0x37: {  	[smem:$0x3FB9] =	sst s10  }
0x38: {  	s10 =	sld [smem:$0x3FBA]  }
0x39: {  	_ = 	snop;
	(pc) =	sbr.ind lr, $3  }
0x3a: {  	_ = 	snop  }
0x3b: {  	_ = 	snop  }
0x3c: {  	p2 =	seq.s32 s10, $0x1;
	s10 =	sld [smem:$0x3FB9]  }
0x3d: {  	_ =	shalt  }
0x3e: {  	_ =	shalt  }
0x3f: {  	_ =	shalt  }
0x40: {  	_ =	shalt  }
0x41: {  	_ =	shalt  }
0x42: {  	_ =	shalt  }
0x43: {  	_ =	shalt  }
0x44: {  	_ =	shalt  }
0x45: {  	_ =	shalt  }
0x46: {  	_ =	shalt  }
0x47: {  	_ =	shalt  }
0x48: {  	_ =	shalt  }
0x49: {  	_ =	shalt  }
0x4a: {  	_ =	shalt  }
0x4b: {  	_ =	shalt  }
0x4c: {  	_ =	shalt  }
0x4d: {  	_ =	shalt  }
0x4e: {  	_ =	shalt  }
0x4f: {  	_ =	shalt  }
0x50: {  	_ =	shalt  }
0x51: {  	_ =	shalt  }
0x52: {  	_ =	shalt  }
0x53: {  	_ =	shalt  }
0x54: {  	_ =	shalt  }
0x55: {  	_ =	shalt  }
0x56: {  	_ =	shalt  }
0x57: {  	_ =	shalt  }
0x58: {  	_ =	shalt  }
0x59: {  	_ =	shalt  }
0x5a: {  	_ =	shalt  }
0x5b: {  	_ =	shalt  }
0x5c: {  	_ =	shalt  }
0x5d: {  	_ =	shalt  }
0x5e: {  	_ =	shalt  }
0x5f: {  	_ =	shalt  }
0x60: {  	_ =	shalt  }
0x61: {  	_ =	shalt  }
0x62: {  	_ =	shalt  }
0x63: {  	_ =	shalt  }
0x64: {  	_ =	shalt  }
0x65: {  	_ =	shalt  }
0x66: {  	_ =	shalt  }
0x67: {  	_ =	shalt  }
0x68: {  	_ =	shalt  }
0x69: {  	_ =	shalt  }
0x6a: {  	_ =	shalt  }
0x6b: {  	_ =	shalt  }
0x6c: {  	_ =	shalt  }
0x6d: {  	_ =	shalt  }
0x6e: {  	_ =	shalt  }
0x6f: {  	_ =	shalt  }
0x70: {  	_ =	shalt  }
0x71: {  	_ =	shalt  }
0x72: {  	_ =	shalt  }
0x73: {  	_ =	shalt  }
0x74: {  	_ =	shalt  }
0x75: {  	_ =	shalt  }
0x76: {  	_ =	shalt  }
0x77: {  	_ =	shalt  }
0x78: {  	_ =	shalt  }
0x79: {  	_ =	shalt  }
0x7a: {  	_ =	shalt  }
0x7b: {  	_ =	shalt  }
0x7c: {  	_ =	shalt  }
0x7d: {  	_ =	shalt  }
0x7e: {  	_ =	shalt  }
0x7f: {  	_ =	shalt  }
0x80: {  	_ =	shalt  }
0x81: {  	_ =	shalt  }
0x82: {  	_ =	shalt  }
0x83: {  	_ =	shalt  }
0x84: {  	_ =	shalt  }
0x85: {  	_ =	shalt  }
0x86: {  	_ =	shalt  }
0x87: {  	_ =	shalt  }
.Lfunc_end0:
.L_simem_size_0:
called_computation.1_lowered:
.L_overlay_start_0:
0x88: {  	s2 =	sld [smem:$0x3FD9]  }
0x89: {  	s3 =	sld [smem:$0x3FFE];
	_ =	sdelay $0x1  }
0x8a: {  	s1 =	srdreg.scid  }
0x8b: {  	s0 =	sand.u32 $0x1, s1  }
0x8c: {  	s14 =	sshll.u32 s0, $0xA;
	s2 =	sadd.s32 s3, s2  }
0x8d: {  	s2 =	sadd.s32 s2, s14  }
0x8e: {  	[smem:$0x3FC5] =	sst s2  }
0x8f: {  	_ = 	snop  }
0x90: {  	s2 =	sld [smem:$0x3FD0];
	_ =	sdelay $0x2  }
0x91: {  	s15 =	simm.s32 $0xA;
	s4 =	simm.s32 $0x10  }
0x92: {  	[smem:s4], [sflag:s15] =	dma.local [hbm:s2], $0x1  }
0x93: {  	_ =	swait.eq [sflag:s15], $0x1  }
0x94: {  	[sflag:s15] =	ssyncset.done $0x0  }
0x95: {  	s16 =	sld [smem:$0x10];
	[sflag:s15] =	ssyncadd.s32 $0xFFFFFFFF  }
0x96: {  	s17 =	sld [smem:$0x11];
	(tm) =	ssettm $0x1  }
0x97: {  	s18 =	sld [smem:$0x3FFB];
	_ =	sdelay $0x3  }
0x98: {  	_ =	strace s18  }
0x99: {  	s4 =	sld [smem:$0x3FFC];
	_ =	sdelay $0x3  }
0x9a: {  	_ =	strace s4  }
0x9b: {  	s4 =	sld [smem:$0x3FFD];
	_ =	sdelay $0x3  }
0x9c: {  	_ =	strace s4  }
0x9d: {  	_ =	strace $0x8FFFFFFF  }
0x9e: {  	s19 =	sld [smem:$0x3FDB];
	_ =	sdelay $0x1  }
0x9f: {  	s5 =	simm.s32 $_scs_section_size  }
0xa0: {  	s6 =	simm.s32 $_size__tile_overlayer_lowered;
	s7 =	simm.s32 $_tile_overlayer_lowered  }
0xa1: {  	s22 =	simm.s32 $0x1BFF;
	s21 =	sshll.u32 s7, $0x1;
	s4 =	sadd.s32 s5, s19  }
0xa2: {  	s8 =	simm.s32 $0x0;
	s20 =	sshll.u32 s6, $0x1;
	s6 =	sadd.s32 s21, s4  }
0xa3: {  	[timem:s8], [sflag:s22] =	dma.local [hbm:s6], s20  }
0xa4: {  	_ =	swait.ge [sflag:s22], s20  }
0xa5: {  	s5 =	ssub.s32 $0x0, s20;
	[sflag:s22] =	ssyncset.done $0x0  }
0xa6: {  	[sflag:s22] =	ssyncadd.s32 s5;
	_ =	sdelay $0x1  }
0xa7: {  	s23 =	simm.s32 $0x1B8B  }
0xa8: {  	_ =	swait.ge [sflag:s23], $0x1  }
0xa9: {  	[sflag:s23] =	ssyncset.done $0x0  }
0xaa: {  	s25 =	simm.s32 $0x1B8E;
	s24 =	sld [smem:$0x3FFE];
	[sflag:s23] =	ssyncadd.s32 $0xFFFFFFFF  }
0xab: {  	s26 =	simm.s32 $execute0_lowered;
	[smem:$0x3FD2] =	sst s25  }
0xac: {  	s6 =	sshll.u32 s26, $0x1;
	_ =	strace $0x80000046;
	[dreg:$0x1] =	wrdreg $0xFFFFFFFF  }
0xad: {  	s28 =	simm.s32 $_size_execute0_lowered;
	s4 =	sadd.s32 s4, s6;
	[dreg:$0x0] =	wrdreg $0x0  }
0xae: {  	s6 =	sshll.u32 s28, $0x1;
	[dreg:$0x2] =	wrdreg s4  }
0xaf: {  	[dreg:$0x3] =	wrdreg s6  }
0xb0: {  	[dreg:$0x4] =	wrdreg $0xC0  }
0xb1: {  	_ =	task [dreg:s8], $0x5FFFF  }
0xb2: {  	[dreg:$0x1] =	wrdreg $0xFFFFFFFF  }
0xb3: {  	[dreg:$0x0] =	wrdreg $0x60  }
0xb4: {  	[dreg:$0x2] =	wrdreg s17  }
0xb5: {  	[dreg:$0x3] =	wrdreg s24  }
0xb6: {  	[dreg:$0x4] =	wrdreg s16  }
0xb7: {  	[dreg:$0x5] =	wrdreg $0x9  }
0xb8: {  	_ =	task.clear_ibuf [dreg:s8], $0x6FFFF;
	_ =	strace $0x90000046  }
0xb9: {  	s29 =	simm.s32 $0x9;
	_ =	strace $0x80000048  }
0xba: {  	_ =	swait.ge [sflag:s29], $0x1  }
0xbb: {  	[sflag:s29] =	ssyncadd.s32 $0xFFFFFFFF  }
0xbc: {  	_ =	strace $0x90000048  }
0xbd: {  	_ =	sfence  }
0xbe: {  	s30 =	sld [smem:$0x0];
	_ =	sdelay $0x2  }
0xbf: {  	s31 =	sshll.u32 s1, $0xD;
	s1 =	sshrl.u32 s1, $0x2  }
0xc0: {  	s3 =	sand.u32 $0x4000, s31;
	s1 =	sadd.s32 s1, s30  }
0xc1: {  	s0 =	sor.u32 s3, s0;
	s1 =	sshll.u32 s1, $0x11  }
0xc2: {  	s0 =	sor.u32 s1, s0  }
0xc3: {  	s0 =	sadd.s32 $0x8F2B, s0  }
0xc4: {  	[sflag:s0] =	ssyncadd.remote.s32 $0x1  }
0xc5: {  	_ =	sfence.sel $0xFFFF  }
0xc6: {  	[dreg:$0x0] =	wrdreg $0xFFFFFFFF;
	(pc) =	sbr.abs _section_cstart, $3  }
0xc7: {  	[dreg:$0x1] =	wrdreg $0xFFFFFFFF  }
0xc8: {  	_ =	task.clear_ibuf [dreg:s8], $0x2FFFF;
	_ =	strace $0x9FFFFFFF  }
0xc9: {  	(tm) =	ssettm $0x7FFFFFFF  }
tec
execute0_lowered:
.L_overlay_start_1:
0x0: {  	(tag) =	ssettag $0x1  }
0x1: {  	s0 =	srdreg.scid  }
0x2: {  	s8 =	stileid.u32;
	s1 =	rddreg [dreg:$0x0]  }
0x3: {  	s4 =	rddreg [dreg:$0x1];
	s11 =	simm.s32 $0x4;
	s12 =	simm.s32 $0x80  }
0x4: {  	s13 =	simm.s32 $0x6400;
	s14 =	simm.s32 $0x8400;
	s16 =	simm.s32 $0xA400  }
0x5: {  	s18 =	simm.s32 $0xC400;
	s19 =	simm.s32 $0x1;
	s21 =	simm.s32 $0xE400  }
0x6: {  	s23 =	simm.s32 $0x10400;
	s28 =	simm.s32 $0x14400;
	s29 =	simm.s32 $0x2  }
0x7: {  	s0 =	sand.u32 $0x1, s0;
	s2 =	sshll.u32 s8, $0x1;
	s8 =	smul.u32 $0x320000, s8  }
0x8: {  	s3 =	sor.u32 s0, s2;
	s7 =	ssub.s32 $0x2, s0;
	s0 =	smul.u32 $0x190000, s0  }
0x9: {  	s30 =	simm.s32 $0x3;
	s31 =	simm.s32 $0x0;
	s5 =	smul.u32 $0xC80, s3  }
0xa: {  	s2 =	rddreg [dreg:$0x2];
	s6 =	smul.u32 $0x190000, s3;
	s3 =	simm.s32 $0x0  }
0xb: {  	s4 =	sadd.s32 $0xC00, s4;
	s9 =	sshrl.u32 s7, $0x1;
	[smem:$0x7FF] =	sst s3  }
0xc: {  	s7 =	ssub.s32 s7, s9;
	s0 =	sadd.s32 s0, s8;
	_ =	strace $0x80000047  }
0xd: {  	s5 =	sadd.s32 s1, s5;
	s24 =	sshrl.u32 s6, $0x3;
	s6 =	smax.u32 s7, $0x1  }
0xe: {  	s25 =	sadd.s32 $0x18000, s0;
	s9 =	sadd.s32 $0x10000, s0;
	s7 =	sadd.s32 s2, s24  }
0xf: {  	s26 =	sshrl.u32 s25, $0x3;
	s24 =	simm.s32 $0x300;
	s25 =	simm.s32 $0x12400  }
0x10: {  	s8 =	sadd.s32 $0x1000, s7;
	s17 =	sadd.s32 s26, s2;
	s26 =	simm.s32 $0x380  }
.LBB2_1:
0x11: {  	[tilespmem:s3], [sflag:$0x4] =	stream.linear.gather [hbm4b:s5+s3], $0x6400, $0x38;
	[tilespmem:$0x16400] =	vst v63  }
0x12: {  	_ =	swait.ge [sflag:s11], $0x6400  }
0x13: {  	[sflag:s11] =	ssyncset.done $0x0  }
0x14: {  	[sflag:s11] =	ssyncadd.s32 $0xFFFF9C00  }
0x15: {  	[tilespmem:s13], [sflag:$0x1] =	stream.indirect.gather [hbm4b:s4+s12], $0x40, s3, s12, $0xb8;
	[tilespmem:$0x16400] =	vst v63  }
0x16: {  	_ = 	snop  }
0x17: {  	[tilespmem:s14], [sflag:$0x1] =	stream.indirect.gather [hbm4b:s4+s12], $0x40, s12, s12, $0xb8;
	[tilespmem:$0x16400] =	vst v63  }
0x18: {  	s0 =	simm.s32 $0x100  }
0x19: {  	[tilespmem:s16], [sflag:$0x1] =	stream.indirect.gather [hbm4b:s4+s12], $0x40, s0, s12, $0xb8;
	[tilespmem:$0x16400] =	vst v63  }
0x1a: {  	s20 =	simm.s32 $0x180  }
0x1b: {  	[tilespmem:s18], [sflag:$0x1] =	stream.indirect.gather [hbm4b:s4+s12], $0x40, s20, s12, $0xb8;
	[tilespmem:$0x16400] =	vst v63  }
0x1c: {  	_ =	swait.ge [sflag:s19], $0x2000  }
0x1d: {  	[sflag:s19] =	ssyncset.done $0x0  }
0x1e: {  	[sflag:s19] =	ssyncadd.s32 $0xFFFFE000  }
0x1f: {  	_ =	swait.ge [sflag:s19], $0x2000  }
0x20: {  	[sflag:s19] =	ssyncset.done $0x0  }
0x21: {  	[sflag:s19] =	ssyncadd.s32 $0xFFFFE000  }
0x22: {  	_ =	swait.ge [sflag:s19], $0x2000  }
0x23: {  	[sflag:s19] =	ssyncset.done $0x0  }
0x24: {  	[sflag:s19] =	ssyncadd.s32 $0xFFFFE000  }
0x25: {  	_ =	swait.ge [sflag:s19], $0x2000  }
0x26: {  	[sflag:s19] =	ssyncset.done $0x0  }
0x27: {  	[sflag:s19] =	ssyncadd.s32 $0xFFFFE000  }
0x28: {  	[hbm4b:s7+s3] =	stream.linear.scatter [tilespmem:s13], [sflag:$0x2], $0x8000, $0x38;
	[tilespmem:$0x16400] =	vst v63  }
0x29: {  	s22 =	simm.s32 $0x200  }
0x2a: {  	[tilespmem:s21], [sflag:$0x1] =	stream.indirect.gather [hbm4b:s4+s12], $0x40, s22, s12, $0xb8;
	[tilespmem:$0x16400] =	vst v63  }
0x2b: {  	s1 =	simm.s32 $0x280  }
0x2c: {  	[tilespmem:s23], [sflag:$0x1] =	stream.indirect.gather [hbm4b:s4+s12], $0x40, s1, s12, $0xb8;
	[tilespmem:$0x16400] =	vst v63  }
0x2d: {  	_ = 	snop  }
0x2e: {  	[tilespmem:s25], [sflag:$0x1] =	stream.indirect.gather [hbm4b:s4+s12], $0x40, s24, s12, $0xb8;
	[tilespmem:$0x16400] =	vst v63  }
0x2f: {  	_ = 	snop  }
0x30: {  	[tilespmem:s28], [sflag:$0x1] =	stream.indirect.gather [hbm4b:s4+s12], $0x40, s26, s12, $0xb8;
	[tilespmem:$0x16400] =	vst v63  }
0x31: {  	_ =	swait.ge [sflag:s19], $0x2000  }
0x32: {  	[sflag:s19] =	ssyncset.done $0x0  }
0x33: {  	[sflag:s19] =	ssyncadd.s32 $0xFFFFE000  }
0x34: {  	_ =	swait.ge [sflag:s19], $0x2000  }
0x35: {  	[sflag:s19] =	ssyncset.done $0x0  }
0x36: {  	[sflag:s19] =	ssyncadd.s32 $0xFFFFE000  }
0x37: {  	_ =	swait.ge [sflag:s19], $0x2000  }
0x38: {  	[sflag:s19] =	ssyncset.done $0x0  }
0x39: {  	[sflag:s19] =	ssyncadd.s32 $0xFFFFE000  }
0x3a: {  	_ =	swait.ge [sflag:s19], $0x2000  }
0x3b: {  	[sflag:s19] =	ssyncset.done $0x0  }
0x3c: {  	[sflag:s19] =	ssyncadd.s32 $0xFFFFE000  }
0x3d: {  	[hbm4b:s8+s3] =	stream.linear.scatter [tilespmem:s21], [sflag:$0x3], $0x8000, $0x38;
	[tilespmem:$0x16400] =	vst v63  }
0x3e: {  	_ =	swait.ge [sflag:s29], $0x8000  }
0x3f: {  	[sflag:s29] =	ssyncset.done $0x0  }
0x40: {  	s10 =	simm.s32 $0x400;
	[sflag:s29] =	ssyncadd.s32 $0xFFFF8000  }
0x41: {  	[tilespmem:s13], [sflag:$0x1] =	stream.indirect.gather [hbm4b:s4+s12], $0x40, s10, s12, $0xb8;
	[tilespmem:$0x16400] =	vst v63  }
0x42: {  	s15 =	simm.s32 $0x480  }
0x43: {  	[tilespmem:s14], [sflag:$0x1] =	stream.indirect.gather [hbm4b:s4+s12], $0x40, s15, s12, $0xb8;
	[tilespmem:$0x16400] =	vst v63  }
0x44: {  	s20 =	simm.s32 $0x500  }
0x45: {  	[tilespmem:s16], [sflag:$0x1] =	stream.indirect.gather [hbm4b:s4+s12], $0x40, s20, s12, $0xb8;
	[tilespmem:$0x16400] =	vst v63  }
0x46: {  	s22 =	simm.s32 $0x580  }
0x47: {  	[tilespmem:s18], [sflag:$0x1] =	stream.indirect.gather [hbm4b:s4+s12], $0x40, s22, s12, $0xb8;
	[tilespmem:$0x16400] =	vst v63  }
0x48: {  	_ =	swait.ge [sflag:s19], $0x2000  }
0x49: {  	[sflag:s19] =	ssyncset.done $0x0  }
0x4a: {  	[sflag:s19] =	ssyncadd.s32 $0xFFFFE000  }
0x4b: {  	_ =	swait.ge [sflag:s19], $0x2000  }
0x4c: {  	[sflag:s19] =	ssyncset.done $0x0  }
0x4d: {  	[sflag:s19] =	ssyncadd.s32 $0xFFFFE000  }
0x4e: {  	_ =	swait.ge [sflag:s19], $0x2000  }
0x4f: {  	[sflag:s19] =	ssyncset.done $0x0  }
0x50: {  	[sflag:s19] =	ssyncadd.s32 $0xFFFFE000  }
0x51: {  	_ =	swait.ge [sflag:s19], $0x2000  }
0x52: {  	s1 =	sshrl.u32 s9, $0x3;
	[sflag:s19] =	ssyncset.done $0x0  }
0x53: {  	s0 =	sadd.s32 s2, s1;
	[sflag:s19] =	ssyncadd.s32 $0xFFFFE000  }
0x54: {  	[hbm4b:s0+s3] =	stream.linear.scatter [tilespmem:s13], [sflag:$0x2], $0x8000, $0x38;
	[tilespmem:$0x16400] =	vst v63  }
0x55: {  	_ =	swait.ge [sflag:s30], $0x8000  }
0x56: {  	[sflag:s30] =	ssyncset.done $0x0  }
0x57: {  	s10 =	simm.s32 $0x600;
	[sflag:s30] =	ssyncadd.s32 $0xFFFF8000  }
0x58: {  	[tilespmem:s21], [sflag:$0x1] =	stream.indirect.gather [hbm4b:s4+s12], $0x40, s10, s12, $0xb8;
	[tilespmem:$0x16400] =	vst v63  }
0x59: {  	s15 =	simm.s32 $0x680  }
0x5a: {  	[tilespmem:s23], [sflag:$0x1] =	stream.indirect.gather [hbm4b:s4+s12], $0x40, s15, s12, $0xb8;
	[tilespmem:$0x16400] =	vst v63  }
0x5b: {  	s20 =	simm.s32 $0x700  }
0x5c: {  	[tilespmem:s25], [sflag:$0x1] =	stream.indirect.gather [hbm4b:s4+s12], $0x40, s20, s12, $0xb8;
	[tilespmem:$0x16400] =	vst v63  }
0x5d: {  	s22 =	simm.s32 $0x780  }
0x5e: {  	[tilespmem:s28], [sflag:$0x1] =	stream.indirect.gather [hbm4b:s4+s12], $0x40, s22, s12, $0xb8;
	[tilespmem:$0x16400] =	vst v63  }
0x5f: {  	_ =	swait.ge [sflag:s19], $0x2000  }
0x60: {  	[sflag:s19] =	ssyncset.done $0x0  }
0x61: {  	[sflag:s19] =	ssyncadd.s32 $0xFFFFE000  }
0x62: {  	_ =	swait.ge [sflag:s19], $0x2000  }
0x63: {  	[sflag:s19] =	ssyncset.done $0x0  }
0x64: {  	[sflag:s19] =	ssyncadd.s32 $0xFFFFE000  }
0x65: {  	_ =	swait.ge [sflag:s19], $0x2000  }
0x66: {  	[sflag:s19] =	ssyncset.done $0x0  }
0x67: {  	[sflag:s19] =	ssyncadd.s32 $0xFFFFE000  }
0x68: {  	_ =	swait.ge [sflag:s19], $0x2000  }
0x69: {  	s1 =	simm.s32 $0x1000;
	s0 =	sadd.s32 $0x10000, s9;
	[sflag:s19] =	ssyncset.done $0x0  }
0x6a: {  	s10 =	smov.u32 s17;
	s15 =	sadd.s32 $0x2000, s17;
	[sflag:s19] =	ssyncadd.s32 $0xFFFFE000  }
.LBB2_2:
0x6b: {  	[hbm4b:s10+s3] =	stream.linear.scatter [tilespmem:s21], [sflag:$0x3], $0x8000, $0x38;
	[tilespmem:$0x16400] =	vst v63  }
0x6c: {  	s20 =	smov.u32 s1;
	s10 =	smov.u32 s15  }
0x6d: {  	p0 =	sne.s32 s1, $0x17000;
	s1 =	sadd.s32 $0x1000, s1;
	_ =	swait.ge [sflag:s29], $0x8000  }
0x6e: {  	s20 =	sshra.s32 s20, $0x2;
	[sflag:s29] =	ssyncset.done $0x0  }
0x6f: {  	s22 =	sadd.s32 $0x400, s20;
	[sflag:s29] =	ssyncadd.s32 $0xFFFF8000  }
0x70: {  	[tilespmem:s13], [sflag:$0x1] =	stream.indirect.gather [hbm4b:s4+s12], $0x40, s22, s12, $0xb8;
	[tilespmem:$0x16400] =	vst v63  }
0x71: {  	s22 =	sadd.s32 $0x480, s20  }
0x72: {  	[tilespmem:s14], [sflag:$0x1] =	stream.indirect.gather [hbm4b:s4+s12], $0x40, s22, s12, $0xb8;
	[tilespmem:$0x16400] =	vst v63  }
0x73: {  	s22 =	sadd.s32 $0x500, s20  }
0x74: {  	[tilespmem:s16], [sflag:$0x1] =	stream.indirect.gather [hbm4b:s4+s12], $0x40, s22, s12, $0xb8;
	[tilespmem:$0x16400] =	vst v63  }
0x75: {  	s22 =	sadd.s32 $0x580, s20  }
0x76: {  	[tilespmem:s18], [sflag:$0x1] =	stream.indirect.gather [hbm4b:s4+s12], $0x40, s22, s12, $0xb8;
	[tilespmem:$0x16400] =	vst v63  }
0x77: {  	_ =	swait.ge [sflag:s19], $0x2000  }
0x78: {  	[sflag:s19] =	ssyncset.done $0x0  }
0x79: {  	[sflag:s19] =	ssyncadd.s32 $0xFFFFE000  }
0x7a: {  	_ =	swait.ge [sflag:s19], $0x2000  }
0x7b: {  	[sflag:s19] =	ssyncset.done $0x0  }
0x7c: {  	[sflag:s19] =	ssyncadd.s32 $0xFFFFE000  }
0x7d: {  	_ =	swait.ge [sflag:s19], $0x2000  }
0x7e: {  	[sflag:s19] =	ssyncset.done $0x0  }
0x7f: {  	[sflag:s19] =	ssyncadd.s32 $0xFFFFE000  }
0x80: {  	_ =	swait.ge [sflag:s19], $0x2000  }
0x81: {  	s22 =	sshrl.u32 s0, $0x3;
	[sflag:s19] =	ssyncset.done $0x0  }
0x82: {  	s22 =	sadd.s32 s2, s22;
	[sflag:s19] =	ssyncadd.s32 $0xFFFFE000  }
0x83: {  	[hbm4b:s22+s3] =	stream.linear.scatter [tilespmem:s13], [sflag:$0x2], $0x8000, $0x38;
	[tilespmem:$0x16400] =	vst v63  }
0x84: {  	_ =	swait.ge [sflag:s30], $0x8000  }
0x85: {  	[sflag:s30] =	ssyncset.done $0x0  }
0x86: {  	s22 =	sadd.s32 $0x600, s20;
	[sflag:s30] =	ssyncadd.s32 $0xFFFF8000  }
0x87: {  	[tilespmem:s21], [sflag:$0x1] =	stream.indirect.gather [hbm4b:s4+s12], $0x40, s22, s12, $0xb8;
	[tilespmem:$0x16400] =	vst v63  }
0x88: {  	s22 =	sadd.s32 $0x680, s20  }
0x89: {  	[tilespmem:s23], [sflag:$0x1] =	stream.indirect.gather [hbm4b:s4+s12], $0x40, s22, s12, $0xb8;
	[tilespmem:$0x16400] =	vst v63  }
0x8a: {  	s22 =	sadd.s32 $0x700, s20  }
0x8b: {  	[tilespmem:s25], [sflag:$0x1] =	stream.indirect.gather [hbm4b:s4+s12], $0x40, s22, s12, $0xb8;
	[tilespmem:$0x16400] =	vst v63  }
0x8c: {  	s20 =	sadd.s32 $0x780, s20  }
0x8d: {  	[tilespmem:s28], [sflag:$0x1] =	stream.indirect.gather [hbm4b:s4+s12], $0x40, s20, s12, $0xb8;
	[tilespmem:$0x16400] =	vst v63  }
0x8e: {  	_ =	swait.ge [sflag:s19], $0x2000  }
0x8f: {  	[sflag:s19] =	ssyncset.done $0x0  }
0x90: {  	[sflag:s19] =	ssyncadd.s32 $0xFFFFE000  }
0x91: {  	_ =	swait.ge [sflag:s19], $0x2000  }
0x92: {  	[sflag:s19] =	ssyncset.done $0x0  }
0x93: {  	[sflag:s19] =	ssyncadd.s32 $0xFFFFE000  }
0x94: {  	_ =	swait.ge [sflag:s19], $0x2000  }
.Ltmp0:
0x95: {  	[sflag:s19] =	ssyncset.done $0x0;
	(pc) =	sbr.rel @p0 .LBB2_2-.Ltmp0, $4  }
0x96: {  	[sflag:s19] =	ssyncadd.s32 $0xFFFFE000  }
0x97: {  	_ =	swait.ge [sflag:s19], $0x2000  }
0x98: {  	[sflag:s19] =	ssyncset.done $0x0  }
0x99: {  	s15 =	sadd.s32 $0x2000, s15;
	s0 =	sadd.s32 $0x10000, s0;
	[sflag:s19] =	ssyncadd.s32 $0xFFFFE000  }
0x9a: {  	[hbm4b:s10+s3] =	stream.linear.scatter [tilespmem:s21], [sflag:$0x3], $0x8000, $0x38;
	[tilespmem:$0x16400] =	vst v63  }
0x9b: {  	s31 =	sadd.s32 $0x1, s31  }
0x9c: {  	_ =	swait.ge [sflag:s29], $0x8000;
	p0 =	sne.s32 s31, s6  }
.Ltmp1:
0x9d: {  	[sflag:s29] =	ssyncset.done $0x0;
	(pc) =	sbr.rel @p0 .LBB2_1-.Ltmp1, $4  }
0x9e: {  	[sflag:s29] =	ssyncadd.s32 $0xFFFF8000  }
0x9f: {  	_ =	swait.ge [sflag:s30], $0x8000  }
0xa0: {  	[sflag:s30] =	ssyncset.done $0x0  }
0xa1: {  	[sflag:s30] =	ssyncadd.s32 $0xFFFF8000  }
0xa2: {  	_ =	sfence.sel $0x180000  }
0xa3: {  	[bflag:$0x0] =	sbarrier.arrive $0xFFFF  }
0xa4: {  	_ =	strace $0x90000047  }
0xa5: {  	s0 =	stileid.u32;
	[bflag:$0x2] =	sbarrier.arrive $0xFFFF  }
0xa6: {  	p0 =	sne.s32 s0, $0x0;
	s0 =	rddreg [dreg:$0x3]  }
0xa7: {  	s0 =	sadd.s32 @!p0 $0x100000, s0  }
0xa8: {  	[sflag:s0] =	ssyncadd.tile.s32 @!p0 $0x1;
	_ =	shalt  }
.Lfunc_end2:
_tile_overlayer_lowered:
.L_overlay_start_2:
0xa9: {  	(tag) =	ssettag $0x2  }
0xaa: {  	s0 =	rddreg [dreg:$0x0];
	s2 =	stileid.u32  }
0xab: {  	s1 =	rddreg [dreg:$0x1];
	p0 =	sne.s32 s2, $0x0  }
0xac: {  	s3 =	rddreg [dreg:$0x2];
	[bflag:$0x3] =	sbarrier.arrive $0xFFFF;
	s2 =	simm.s32 @!p0 $0x1C04  }
0xad: {  	[timem:s3], [sflag:s2] =	dma.local @!p0 [hbm:s0], s1  }
0xae: {  	s0 =	simm.s32 @!p0 $0x4  }
0xaf: {  	_ =	swait.ge @!p0 [sflag:s0], s1  }
0xb0: {  	s1 =	ssub.s32 @!p0 $0x0, s1;
	[sflag:s0] =	ssyncset.done @!p0 $0x0  }
0xb1: {  	[sflag:s0] =	ssyncadd.s32 @!p0 s1  }
0xb2: {  	[bflag:$0x3] =	sbarrier.arrive $0xFFFF  }
0xb3: {  	_ =	shalt  }

// kernel: sparse-core-data-format-call.cloned.1.call-start
scs
called_computation_lowered:
.L_overlay_start_0:
0x0: {  	s2 =	sld [smem:$0x3FD9]  }
0x1: {  	s3 =	sld [smem:$0x3FFE];
	_ =	sdelay $0x1  }
0x2: {  	s1 =	srdreg.scid  }
0x3: {  	s0 =	sand.u32 $0x1, s1  }
0x4: {  	s15 =	sshll.u32 s0, $0xA;
	s2 =	sadd.s32 s3, s2  }
0x5: {  	s2 =	sadd.s32 s2, s15  }
0x6: {  	[smem:$0x3FC5] =	sst s2  }
0x7: {  	_ = 	snop  }
0x8: {  	s2 =	sld [smem:$0x3FD0];
	_ =	sdelay $0x2  }
0x9: {  	s16 =	simm.s32 $0xA;
	s4 =	simm.s32 $0x10  }
0xa: {  	[smem:s4], [sflag:s16] =	dma.local [hbm:s2], $0x1  }
0xb: {  	_ =	swait.eq [sflag:s16], $0x1  }
0xc: {  	[sflag:s16] =	ssyncset.done $0x0  }
0xd: {  	[sflag:s16] =	ssyncadd.s32 $0xFFFFFFFF  }
0xe: {  	s17 =	sld [smem:$0x10];
	(tm) =	ssettm $0x1  }
0xf: {  	s18 =	sld [smem:$0x3FFB];
	_ =	sdelay $0x3  }
0x10: {  	_ =	strace s18  }
0x11: {  	s3 =	sld [smem:$0x3FFC];
	_ =	sdelay $0x3  }
0x12: {  	_ =	strace s3  }
0x13: {  	s3 =	sld [smem:$0x3FFD];
	_ =	sdelay $0x3  }
0x14: {  	_ =	strace s3  }
0x15: {  	_ =	strace $0x8FFFFFFF  }
0x16: {  	s19 =	sld [smem:$0x3FDB];
	_ =	sdelay $0x1  }
0x17: {  	s20 =	simm.s32 $_scs_section_size  }
0x18: {  	s5 =	simm.s32 $_size__tile_overlayer_lowered;
	s6 =	simm.s32 $_tile_overlayer_lowered  }
0x19: {  	s23 =	simm.s32 $0x1BFF;
	s22 =	sshll.u32 s6, $0x1;
	s3 =	sadd.s32 s20, s19  }
0x1a: {  	s7 =	simm.s32 $0x0;
	s21 =	sshll.u32 s5, $0x1;
	s5 =	sadd.s32 s22, s3  }
0x1b: {  	[timem:s7], [sflag:s23] =	dma.local [hbm:s5], s21  }
0x1c: {  	_ =	swait.ge [sflag:s23], s21  }
0x1d: {  	s4 =	ssub.s32 $0x0, s21;
	[sflag:s23] =	ssyncset.done $0x0  }
0x1e: {  	[sflag:s23] =	ssyncadd.s32 s4;
	_ =	sdelay $0x1  }
0x1f: {  	s24 =	simm.s32 $0x1B8B  }
0x20: {  	_ =	swait.ge [sflag:s24], $0x1  }
0x21: {  	[sflag:s24] =	ssyncset.done $0x0  }
0x22: {  	s26 =	simm.s32 $0x1B8E;
	s25 =	sld [smem:$0x3FFE];
	[sflag:s24] =	ssyncadd.s32 $0xFFFFFFFF  }
0x23: {  	s27 =	simm.s32 $execute0_lowered;
	[smem:$0x3FD2] =	sst s26  }
0x24: {  	s5 =	sshll.u32 s27, $0x1;
	_ =	strace $0x80000049;
	[dreg:$0x1] =	wrdreg $0xFFFFFFFF  }
0x25: {  	s28 =	simm.s32 $_size_execute0_lowered;
	s3 =	sadd.s32 s3, s5;
	[dreg:$0x0] =	wrdreg $0x0  }
0x26: {  	s5 =	sshll.u32 s28, $0x1;
	[dreg:$0x2] =	wrdreg s3  }
0x27: {  	[dreg:$0x3] =	wrdreg s5  }
0x28: {  	[dreg:$0x4] =	wrdreg $0xC0  }
0x29: {  	_ =	task [dreg:s7], $0x5FFFF  }
0x2a: {  	[dreg:$0x1] =	wrdreg $0xFFFFFFFF  }
0x2b: {  	[dreg:$0x0] =	wrdreg $0x60  }
0x2c: {  	[dreg:$0x2] =	wrdreg s25  }
0x2d: {  	[dreg:$0x3] =	wrdreg s17  }
0x2e: {  	[dreg:$0x4] =	wrdreg $0x9  }
0x2f: {  	_ =	task.clear_ibuf [dreg:s7], $0x5FFFF;
	_ =	strace $0x90000049  }
0x30: {  	s29 =	simm.s32 $0x9;
	_ =	strace $0x8000004B  }
0x31: {  	_ =	swait.ge [sflag:s29], $0x1  }
0x32: {  	[sflag:s29] =	ssyncadd.s32 $0xFFFFFFFF  }
0x33: {  	_ =	strace $0x9000004B  }
0x34: {  	_ =	sfence  }
0x35: {  	s30 =	sld [smem:$0x0];
	_ =	sdelay $0x2  }
0x36: {  	s31 =	sshll.u32 s1, $0xD;
	s1 =	sshrl.u32 s1, $0x2  }
0x37: {  	s3 =	sand.u32 $0x4000, s31;
	s1 =	sadd.s32 s1, s30  }
0x38: {  	s0 =	sor.u32 s3, s0;
	s1 =	sshll.u32 s1, $0x11  }
0x39: {  	s0 =	sor.u32 s1, s0  }
0x3a: {  	s0 =	sadd.s32 $0x8F2B, s0  }
0x3b: {  	[sflag:s0] =	ssyncadd.remote.s32 $0x1  }
0x3c: {  	_ =	sfence.sel $0xFFFF  }
0x3d: {  	[dreg:$0x0] =	wrdreg $0xFFFFFFFF;
	(pc) =	sbr.abs _section_cstart, $3  }
0x3e: {  	[dreg:$0x1] =	wrdreg $0xFFFFFFFF  }
0x3f: {  	_ =	task.clear_ibuf [dreg:s7], $0x2FFFF;
	_ =	strace $0x9FFFFFFF  }
0x40: {  	(tm) =	ssettm $0x7FFFFFFF  }
0x41: {  	_ =	shalt  }
tec
execute0_lowered:
.L_overlay_start_1:
0x0: {  	(tag) =	ssettag $0x1  }
0x1: {  	s0 =	srdreg.scid  }
0x2: {  	s1 =	sshll.u32 s0, $0x4  }
0x3: {  	s0 =	stileid.u32;
	s1 =	sand.u32 $0x10, s1  }
0x4: {  	s1 =	sor.u32 s0, s1  }
0x5: {  	s6 =	rddreg [dreg:$0x0];
	s4 =	simm.s32 $0x1;
	s2 =	sshll.u32 s1, $0x7  }
0x6: {  	s7 =	simm.s32 $0x2;
	s12 =	simm.s32 $0x0;
	s1 =	ssub.s32 $0x1000, s2  }
0x7: {  	s8 =	simm.s32 $0x8000;
	s13 =	simm.s32 $0x0;
	s3 =	sand.u32 $0xF80, s1  }
0x8: {  	s9 =	simm.s32 $0x0;
	s5 =	sshrl.u32 s1, $0xC;
	p0 =	sne.s32 s3, $0x0  }
.Ltmp0:
0x9: {  	s1 =	rddreg [dreg:$0x2];
	s4 =	simm.s32 @!p0 $0x0;
	(pc) =	sbr.rel .LBB1_1-.Ltmp0, $4  }
0xa: {  	s11 =	simm.s32 $0x0;
	s3 =	rddreg [dreg:$0x1];
	s5 =	sadd.s32 s4, s5  }
0xb: {  	_ =	strace $0x8000004A;
	s4 =	simm.s32 $0x1;
	s5 =	smul.u32 $0xC8, s5  }
0xc: {  	s6 =	sadd.s32 $0xC00, s6;
	s10 =	smov.u32 s2;
	[sflag:s4] =	ssyncpa.u1 $0x0  }
0xd: {  	p0 =	por $0x0, $0x0;
	[sflag:s7] =	ssyncpa.u1 $0x0;
	s7 =	sor.u32 $0x1, s5  }
.LBB1_4:
0xe: {  	s16 =	sshll.u32 s13, $0x3;
	s17 =	sand.u32 $0x78, s13  }
0xf: {  	s30 =	sand.u32 $0x7E00, s13;
	s12 =	sshll.u32 s12, $0xF;
	s16 =	sand.u32 $0xC00, s16  }
0x10: {  	[tilespmem:s15+$0x810 ss:$0x81] =	vst.msk $0xffff, v2;
	s31 =	sand.u32 $0x7, s13;
	s16 =	sor.u32 s17, s16;
	s17 =	sadd.s32 s3, s30  }
0x11: {  	[tilespmem:s15+$0x1020 ss:$0x81] =	vst.msk $0xffff, v0;
	s13 =	sshll.u32 s31, $0x12;
	s12 =	sadd.s32 s12, s17;
	s16 =	sshrl.u32 s16, $0x3  }
0x12: {  	[tilespmem:s15+$0x0 ss:$0x81] =	vst.msk $0xffff, v1;
	s13 =	sor.u32 $0x400, s13;
	s12 =	sadd.s32 s16, s12  }
0x13: {  	[hbm4b:s12+s13] =	stream.strided.scatter [tilespmem:s14], [sflag:$0x2], $0x2000, s8, s13, $0x20;
	[tilespmem:$0x8080] =	vst v63  }
.LBB1_5:
0x14: {  	s14 =	sadd.s32 $0x1, s9  }
0x15: {  	s12 =	sadd.s32 $0x1000, s10;
	s16 =	smov.u32 s10;
	p2 =	sgt.s32 s14, $0xC7  }
0x16: {  	s16 =	smov.u32 @p2 s12  }
0x17: {  	s14 =	simm.s32 @p2 $0x0;
	p2 =	sgt.s32 s16, $0xFFF  }
0x18: {  	s16 =	smov.u32 @p2 s2;
	p2 =	sne.s32 s11, s7  }
.Ltmp1:
0x19: {  	p1 =	slt.u32 s11, $0x2;
	(pc) =	sbr.rel @!p2 .LBB1_6-.Ltmp1, $4  }
0x1a: {  	s15 =	simm.s32 @!p1 $0x2  }
0x1b: {  	s13 =	smov.u32 s10;
	p0 =	por !p0, !p0;
	_ =	swait.ge @!p1 [sflag:s15], $0x2000  }
0x1c: {  	s12 =	smov.u32 s9;
	[sflag:s15] =	ssyncset.done @!p1 $0x0;
	s9 =	smov.u32 s14  }
0x1d: {  	s11 =	sadd.s32 $0x1, s11;
	[sflag:s15] =	ssyncadd.s32 @!p1 $0xFFFFE000;
	s10 =	smov.u32 s16  }
.LBB1_1:
0x1e: {  	p1 =	sge.u32 s11, s5  }
0x1f: {  	s14 =	sand.u32 @!p1 $0x1FFFFFF, s9  }
0x20: {  	s15 =	smulhi.u32 @!p1 $0x147AE15, s14;
	_ =	sdelay $0x1  }
0x21: {  	s15 =	smul.u32 @!p1 $0xC8, s15  }
0x22: {  	s16 =	sxor.u32 @!p1 $0xFFFFFFFF, s11;
	s17 =	smul.u32 @!p1 $0xC80, s10  }
0x23: {  	s31 =	sadd.s32 $0xFFFFFFFF, s11;
	s16 =	sshll.u32 @!p1 s16, $0xD;
	s14 =	ssub.s32 @!p1 s14, s15  }
0x24: {  	s15 =	sand.u32 @!p1 $0x2000, s16;
	s16 =	sadd.s32 @!p1 s6, s17;
	s14 =	sshll.u32 @!p1 s14, $0x4  }
0x25: {  	s17 =	simm.s32 @!p1 $0x6400;
	s14 =	sadd.s32 @!p1 s14, s16;
	s16 =	simm.s32 @!p1 $0x40  }
0x26: {  	[tilespmem:s15], [sflag:$0x1] =	stream.strided.gather @!p1 [hbm4b:s14+s16], $0x2000, s17, s16, $0x38;
	[tilespmem:$0x8080] =	vst v63  }
0x27: {  	p1 =	sge.u32 s31, s5  }
.Ltmp2:
0x28: {  	_ = 	snop;
	(pc) =	sbr.rel @p1 .LBB1_5-.Ltmp2, $1  }
0x29: {  	_ =	sdelay $0x3  }
0x2a: {  	s14 =	simm.s32 $0x1  }
0x2b: {  	_ =	swait.ge [sflag:s4], $0x2000;
	s14 =	simm.s32 @!p0 $0x0  }
0x2c: {  	[sflag:s4] =	ssyncset.done $0x0;
	s15 =	sshll.u32 s14, $0xD  }
0x2d: {  	[sflag:s4] =	ssyncadd.s32 $0xFFFFE000;
	s18 =	sor.u32 $0x20, s15  }
0x2e: {  	s14 =	smul.u32 $0x8100, s14;
	v3 =	vld [tilespmem:s18+$0x10]  }
0x2f: {  	s30 =	sand.u32 $0x1, s11;
	v2 =	vld [tilespmem:s18+$0xFFFFFFF0]  }
0x30: {  	s15 =	smul.u32 $0x8100, s30;
	s14 =	sshrl.u32 s14, $0x2;
	v0 =	vld [tilespmem:s18+$0x0]  }
0x31: {  	v1 =	vld [tilespmem:s18+$0xFFFFFFE0];
	s16 =	sor.u32 $0x4000, s14  }
0x32: {  	s31 =	sshrl.u32 s15, $0x2;
	s15 =	sadd.s32 $0x0, s16  }
0x33: {  	s17 =	simm.s32 $0x4;
	s18 =	sadd.s32 $0x40, s18;
	s14 =	sor.u32 $0x4000, s31;
	[tilespmem:s15+$0x1830 ss:$0x81] =	vst.msk $0xffff, v3  }
.LBB1_3:
0x34: {  	v3 =	vld [tilespmem:s18+$0x10];
	p1 =	sne.s32 s17, $0x1FC;
	[tilespmem:s15+$0x810 ss:$0x81] =	vst.msk $0xffff, v2;
	s19 =	smov.u32 s17;
	s17 =	sadd.s32 $0x4, s17  }
.Ltmp3:
0x35: {  	v2 =	vld [tilespmem:s18+$0xFFFFFFF0];
	[tilespmem:s15+$0x1020 ss:$0x81] =	vst.msk $0xffff, v0;
	(pc) =	sbr.rel @p1 .LBB1_3-.Ltmp3, $4  }
0x36: {  	v0 =	vld [tilespmem:s18+$0x0];
	[tilespmem:s15+$0x0 ss:$0x81] =	vst.msk $0xffff, v1  }
0x37: {  	s15 =	sshra.s32 s19, $0x2;
	v1 =	vld [tilespmem:s18+$0xFFFFFFE0]  }
0x38: {  	s15 =	sadd.s32 s15, s16  }
0x39: {  	s18 =	sadd.s32 $0x40, s18;
	[tilespmem:s15+$0x1830 ss:$0x81] =	vst.msk $0xffff, v3  }
.Ltmp4:
0x3a: {  	_ = 	snop;
	(pc) =	sbr.rel .LBB1_4-.Ltmp4, $1  }
0x3b: {  	_ =	sdelay $0x3  }
.LBB1_6:
0x3c: {  	_ =	sfence.sel $0x180000  }
0x3d: {  	s2 =	simm.s32 $0x1;
	[bflag:$0x0] =	sbarrier.arrive $0xFFFF  }
0x3e: {  	s31 =	simm.s32 $0x2;
	[sflag:s2] =	ssyncpa.u1 $0x1  }
0x3f: {  	[sflag:s31] =	ssyncpa.u1 $0x1  }
0x40: {  	p0 =	sne.s32 s0, $0x0;
	_ =	strace $0x9000004A  }
0x41: {  	s0 =	sadd.s32 @!p0 $0x100000, s1;
	[bflag:$0x2] =	sbarrier.arrive $0xFFFF  }
0x42: {  	[sflag:s0] =	ssyncadd.tile.s32 @!p0 $0x1;
	_ =	shalt  }
.Lfunc_end1:
_tile_overlayer_lowered:
.L_overlay_start_2:
0x43: {  	(tag) =	ssettag $0x2  }
0x44: {  	s0 =	rddreg [dreg:$0x0];
	s2 =	stileid.u32  }
0x45: {  	s1 =	rddreg [dreg:$0x1];
	p0 =	sne.s32 s2, $0x0  }
0x46: {  	s3 =	rddreg [dreg:$0x2];
	[bflag:$0x3] =	sbarrier.arrive $0xFFFF;
	s2 =	simm.s32 @!p0 $0x1C01  }
0x47: {  	[timem:s3], [sflag:s2] =	dma.local @!p0 [hbm:s0], s1  }
0x48: {  	s0 =	simm.s32 @!p0 $0x1  }
0x49: {  	_ =	swait.ge @!p0 [sflag:s0], s1  }
0x4a: {  	s1 =	ssub.s32 @!p0 $0x0, s1;
	[sflag:s0] =	ssyncset.done @!p0 $0x0  }
0x4b: {  	[sflag:s0] =	ssyncadd.s32 @!p0 s1  }
0x4c: {  	[bflag:$0x3] =	sbarrier.arrive $0xFFFF  }
0x4d: {  	_ =	shalt  }

</sc_bundles>
